<compile_context>
chip_gen: v7x
topology: tpu7x:2x2x1
jax: 0.10.2.dev20260603
libtpu: 0.0.44.dev20260713+nightly
codegen_flags: <defaults>
</compile_context>

<pallas_src>
import jax
import jax.numpy as jnp
from jax import lax
from jax.experimental import pallas as pl
from jax.experimental.pallas import tpu as pltpu
from jax.experimental.pallas import tpu_sc as plsc

_K = 100000
_B = 16384
_NS = 50
_N = _B * _NS
_NW = 32
_NPW = _N // _NW
_L = 16
_NCHUNK = 16
_C = _NPW // _NCHUNK
_RC = _C // _NS
_ST = 6400
_FCAP = 128
_OW = 64


def _unpack(w):
    t15 = (w >> 17).astype(jnp.int32)
    av = (w & 0x1FFFF).astype(jnp.int32)
    return t15, av


def _ambig(k15, t15):
    d = plsc.bitcast(k15 - t15 + 1, jnp.uint32)
    return d <= jnp.uint32(1)


def _body(prob_hbm, alias_hbm, kk_hbm, u_hbm, out_hbm, scr_hbm,
          packed_t, prob_s, kk0, kk1, u0, u1, o0, o1, fpos, fkk, fp,
          sk0, sk1, su0, su1, sg0, so0, so1, sp0, sp1):
    c = lax.axis_index("c")
    s = lax.axis_index("s")
    wid = s * 2 + c
    base = wid * _NPW
    rbase = wid * (_NPW // _NS)

    kk_v = (kk0, kk1)
    u_v = (u0, u1)
    o_v = (o0, o1)
    sk = (sk0, sk1)
    su = (su0, su1)
    so = (so0, so1)

    def in_copies(i, j):
        off = base + i * _C
        ck = pltpu.async_copy(kk_hbm.at[pl.ds(off, _C)], kk_v[j], sk[j])
        cu = pltpu.async_copy(u_hbm.at[pl.ds(off, _C)], u_v[j], su[j])
        return ck, cu

    def zstep(t, carry):
        fpos[pl.ds(t * _L, _L)] = jnp.zeros((_L,), jnp.int32)
        return carry

    lax.fori_loop(0, _FCAP // _L, zstep, 0)

    with jax.named_scope("pack_build"):
        o0_ = jnp.where(s < 15, s * _ST, _K - 4000)
        o1_ = jnp.where(s < 15, s * _ST + 3200, _K - 3200)
        offs = (o0_, o0_ + 1600, o1_, o1_ + 1600)

        def stripe_reads(t2):
            j = t2 % 2
            ca = pltpu.async_copy(alias_hbm.at[pl.ds(offs[t2], _C)],
                                  kk_v[j], sk[j])
            cp_ = pltpu.async_copy(prob_hbm.at[pl.ds(offs[t2], _C)],
                                   u_v[j], su[j])
            return ca, cp_

        rd = stripe_reads(0)
        wr = [None, None]
        for t2 in range(4):
            j = t2 % 2
            nj = 1 - j
            rd[0].wait()
            rd[1].wait()
            if t2 + 1 < 4:
                if wr[nj] is not None:
                    wr[nj][0].wait()
                    wr[nj][1].wait()
                    wr[nj] = None
                rd_next = stripe_reads(t2 + 1)

            def pstep(t, carry, j=j):
                sl = pl.ds(t * _L, _L)
                ps = u_v[j][sl] * 32768.0
                ti = ps.astype(jnp.int32)
                tc = ti + jnp.where(ti.astype(jnp.float32) < ps, 1, 0)
                t15 = jnp.minimum(tc, 32767)
                kk_v[j][sl] = jnp.bitwise_or(jnp.left_shift(t15, 17),
                                             kk_v[j][sl])
                return carry

            plsc.parallel_loop(0, _C // _L, unroll=2,
                               carry=jnp.int32(0))(pstep)
            wr[j] = (
                pltpu.async_copy(kk_v[j],
                                 scr_hbm.at[pl.ds(c * _K + offs[t2], _C)],
                                 so[j]),
                pltpu.async_copy(u_v[j], prob_s.at[pl.ds(offs[t2], _C)],
                                 sg0),
            )
            if t2 + 1 < 4:
                rd = rd_next
        for w2 in wr:
            if w2 is not None:
                w2[0].wait()
                w2[1].wait()
        plsc.subcore_barrier()
    in_copies(0, 0)
    in_copies(1, 1)
    with jax.named_scope("pack_pull"):
        _H = _K // 2
        p1 = pltpu.async_copy(scr_hbm.at[pl.ds(c * _K, _H)],
                              packed_t.at[pl.ds(0, _H)], sp0)
        p2 = pltpu.async_copy(scr_hbm.at[pl.ds(c * _K + _H, _H)],
                              packed_t.at[pl.ds(_H, _H)], sp1)
        p1.wait()
        p2.wait()

    def chunk_pair(i2, carry):
      for j in (0, 1):
        i = i2 * 2 + j
        off = base + i * _C

        @pl.when(i2 >= 1)
        def _wait_prev(i=i, j=j):
            pltpu.make_async_copy(
                o_v[j],
                out_hbm.at[pl.ds(rbase + (i - 2) * _RC, _RC), :],
                so[j]).wait()

        pltpu.make_async_copy(
            kk_hbm.at[pl.ds(off, _C)], kk_v[j], sk[j]).wait()
        pltpu.make_async_copy(
            u_hbm.at[pl.ds(off, _C)], u_v[j], su[j]).wait()

        with jax.named_scope("sel"):
            def step(t, carry, j=j):
                row, col, cnt, lo, hi = carry
                sl = pl.ds(t * _L, _L)
                kkv = kk_v[j][sl]
                w = plsc.bitcast(plsc.load_gather(packed_t, [kkv]),
                                 jnp.uint32)
                k15 = (u_v[j][sl] * 32768.0).astype(jnp.int32)
                t15, av = _unpack(w)
                val = jnp.where(k15 < t15, kkv, av)
                plsc.store_scatter(o_v[j], [row, col], val)
                pc = plsc.all_reduce_population_count(_ambig(k15, t15))
                cnt = cnt + pc
                lo = jnp.minimum(lo, jnp.where(pc > 0, t, _C))
                hi = jnp.maximum(hi, jnp.where(pc > 0, t + 1, 0))
                col = col + _L
                wrap = col >= _NS
                col = jnp.where(wrap, col - _NS, col)
                row = row + wrap.astype(jnp.int32)
                return row, col, cnt, lo, hi

            init = (jnp.zeros((_L,), jnp.int32), lax.iota(jnp.int32, _L),
                    jnp.zeros((_L,), jnp.int32),
                    jnp.full((_L,), _C, jnp.int32),
                    jnp.zeros((_L,), jnp.int32))
            _, _, cnt_v, lo_v, hi_v = plsc.parallel_loop(
                0, _C // _L, unroll=4, carry=init)(step)
            cnt = jnp.max(cnt_v)

        @pl.when(cnt > 0)
        def _fixup(i=i, j=j, lo_v=lo_v, hi_v=hi_v):
            with jax.named_scope("fix"):
                def cap(t, cc, j=j):
                    sl = pl.ds(t * _L, _L)
                    kkv = kk_v[j][sl]
                    w = plsc.bitcast(plsc.load_gather(packed_t, [kkv]),
                                     jnp.uint32)
                    k15 = (u_v[j][sl] * 32768.0).astype(jnp.int32)
                    t15, _ = _unpack(w)
                    m = _ambig(k15, t15)
                    dst = pl.ds(jnp.minimum(cc, _FCAP - _L), _L)
                    plsc.store_compressed(
                        fpos.at[dst], t * _L + lax.iota(jnp.int32, _L),
                        mask=m)
                    return cc + jnp.max(
                        plsc.all_reduce_population_count(m))

                nfix = lax.fori_loop(jnp.max(lo_v), jnp.max(hi_v), cap,
                                     jnp.int32(0))
                nfix = jnp.minimum(nfix, _FCAP - _L)

                def istep(t, carry, j=j):
                    sl = pl.ds(t * _L, _L)
                    fkk[sl] = plsc.load_gather(kk_v[j], [fpos[sl]])
                    return carry

                lax.fori_loop(0, _FCAP // _L, istep, 0)
                pltpu.async_copy(prob_s.at[fkk], fp, sg0).wait()

                def fstep(t, carry, j=j):
                    sl = pl.ds(t * _L, _L)
                    pos = fpos[sl]
                    kkv = fkk[sl]
                    uv = plsc.load_gather(u_v[j], [pos])
                    b = uv < fp[sl]
                    w = plsc.bitcast(plsc.load_gather(packed_t, [kkv]),
                                     jnp.uint32)
                    _, av = _unpack(w)
                    val = jnp.where(b, kkv, av)
                    row = (pos * 5243) >> 18
                    colx = pos - row * _NS
                    lane = t * _L + lax.iota(jnp.int32, _L)
                    plsc.store_scatter(o_v[j], [row, colx], val,
                                       mask=lane < nfix)
                    return carry

                lax.fori_loop(0, _FCAP // _L, fstep, 0)

        pltpu.async_copy(
            o_v[j], out_hbm.at[pl.ds(rbase + i * _RC, _RC), :], so[j])

        @pl.when(i2 < (_NCHUNK // 2) - 1)
        def _next_in(i=i, j=j):
            in_copies(i + 2, j)
      return carry

    lax.fori_loop(0, _NCHUNK // 2, chunk_pair, 0)

    pltpu.make_async_copy(
        o_v[0], out_hbm.at[pl.ds(rbase + 14 * _RC, _RC), :], so[0]).wait()
    pltpu.make_async_copy(
        o_v[1], out_hbm.at[pl.ds(rbase + 15 * _RC, _RC), :], so[1]).wait()


@jax.jit
def _sample(prob, alias, kk, u):
    mesh = plsc.VectorSubcoreMesh(core_axis_name="c", subcore_axis_name="s")
    f = pl.kernel(
        _body,
        mesh=mesh,
        compiler_params=pltpu.CompilerParams(needs_layout_passes=False),
        out_type=(jax.ShapeDtypeStruct((_B, _OW), jnp.int32),
                  jax.ShapeDtypeStruct((2 * _K,), jnp.int32)),
        scratch_types=[
            pltpu.VMEM((_K,), jnp.int32),
            pltpu.VMEM_SHARED((_K,), jnp.float32),
            pltpu.VMEM((_C,), jnp.int32),
            pltpu.VMEM((_C,), jnp.int32),
            pltpu.VMEM((_C,), jnp.float32),
            pltpu.VMEM((_C,), jnp.float32),
            pltpu.VMEM((_RC, _OW), jnp.int32),
            pltpu.VMEM((_RC, _OW), jnp.int32),
            pltpu.VMEM((_FCAP,), jnp.int32),
            pltpu.VMEM((_FCAP,), jnp.int32),
            pltpu.VMEM((_FCAP,), jnp.float32),
        ] + [pltpu.SemaphoreType.DMA] * 9,
    )
    out, _ = f(prob, alias, kk, u)
    return out


def kernel(prob, alias, kk, u):
    return _sample(prob, alias, kk, u)[:, :_NS]

# --- scband reference (transcript-rebuilt; emitter-appended) ---
"""Pipeline reference for scband-alias-multinomial-3882650435831 (READ-ONLY COPY).

The authoritative reference and input builder live on the scoring server;
editing this copy changes nothing except your own understanding.
"""

import jax, jax.numpy as jnp
import numpy as np

K = 100000
B = 16384
NS = 50


def _build_alias(np_probs):
    Kn = len(np_probs)
    prob = np.array(np_probs * Kn, dtype=np.float64)
    alias = np.zeros(Kn, dtype=np.int64)
    smaller = [i for i in range(Kn) if prob[i] < 1.0]
    larger = [i for i in range(Kn) if prob[i] >= 1.0]
    while smaller and larger:
        s = smaller.pop()
        l = larger.pop()
        alias[s] = l
        prob[l] = prob[l] - 1.0 + prob[s]
        if prob[l] < 1.0:
            smaller.append(l)
        else:
            larger.append(l)
    for i in smaller + larger:
        prob[i] = 1.0
    return prob.astype(np.float32), alias.astype(np.int32)


def setup_inputs(seed: int = 0) -> dict:
    rng = np.random.default_rng(0)
    raw = rng.uniform(0.1, 1.0, size=K).astype(np.float64)
    probs = raw / raw.sum()
    prob_np, alias_np = _build_alias(probs)
    key = jax.random.key(seed)
    k1, k2 = jax.random.split(key)
    kk = jax.random.randint(k1, (B * NS,), 0, K, dtype=jnp.int32)
    u = jax.random.uniform(k2, (B * NS,), dtype=jnp.float32)
    return {
        "prob": jnp.asarray(prob_np),
        "alias": jnp.asarray(alias_np),
        "kk": kk,
        "u": u,
    }


def reference(prob, alias, kk, u):
    # AliasMultinomial.draw: kk ~ Uniform{0..K-1}, b ~ Bernoulli(prob[kk])
    # (randomness materialized as explicit inputs kk, u for determinism)
    p = jnp.take(prob, kk, axis=0)
    a = jnp.take(alias, kk, axis=0)
    b = (u < p).astype(kk.dtype)
    oq = kk * b
    oj = a * (1 - b)
    return (oq + oj).reshape(B, NS)

if __name__ == "__main__":
    import jax
    _d = setup_inputs()
    print(jax.jit(kernel)(*tuple(_d.values())))

</pallas_src>

<mosaic_0001>
#map = affine_map<(d0, d1) -> (0)>
#map1 = affine_map<(d0, d1) -> (0, 0)>
module attributes {stable_mosaic.version = 14 : i64} {
  func.func @_body(%arg0: i32, %arg1: i32, %arg2: memref<100000xf32, #tpu.memory_space<hbm>>, %arg3: memref<100000xi32, #tpu.memory_space<hbm>>, %arg4: memref<819200xi32, #tpu.memory_space<hbm>>, %arg5: memref<819200xf32, #tpu.memory_space<hbm>>, %arg6: memref<16384x64xi32, #tpu.memory_space<hbm>>, %arg7: memref<200000xi32, #tpu.memory_space<hbm>>, %arg8: memref<100000xi32, #tpu.memory_space<vmem>>, %arg9: memref<100000xf32, #tpu.memory_space<vmem_shared>>, %arg10: memref<1600xi32, #tpu.memory_space<vmem>>, %arg11: memref<1600xi32, #tpu.memory_space<vmem>>, %arg12: memref<1600xf32, #tpu.memory_space<vmem>>, %arg13: memref<1600xf32, #tpu.memory_space<vmem>>, %arg14: memref<32x64xi32, #tpu.memory_space<vmem>>, %arg15: memref<32x64xi32, #tpu.memory_space<vmem>>, %arg16: memref<128xi32, #tpu.memory_space<vmem>>, %arg17: memref<128xi32, #tpu.memory_space<vmem>>, %arg18: memref<128xf32, #tpu.memory_space<vmem>>, %arg19: memref<!tpu.dma_semaphore, #tpu.memory_space<semaphore_mem>>, %arg20: memref<!tpu.dma_semaphore, #tpu.memory_space<semaphore_mem>>, %arg21: memref<!tpu.dma_semaphore, #tpu.memory_space<semaphore_mem>>, %arg22: memref<!tpu.dma_semaphore, #tpu.memory_space<semaphore_mem>>, %arg23: memref<!tpu.dma_semaphore, #tpu.memory_space<semaphore_mem>>, %arg24: memref<!tpu.dma_semaphore, #tpu.memory_space<semaphore_mem>>, %arg25: memref<!tpu.dma_semaphore, #tpu.memory_space<semaphore_mem>>, %arg26: memref<!tpu.dma_semaphore, #tpu.memory_space<semaphore_mem>>, %arg27: memref<!tpu.dma_semaphore, #tpu.memory_space<semaphore_mem>>) attributes {dimension_semantics = [#tpu.dimension_semantics<core_parallel>, #tpu.dimension_semantics<subcore_parallel>], iteration_bounds = array<i64: 2, 16>, scalar_prefetch = 0 : i64, scratch_operands = 20 : i64, tpu.core_type = #tpu.core_type<sc_vector_subcore>, window_params = [{transform_indices = #map}, {transform_indices = #map}, {transform_indices = #map}, {transform_indices = #map}, {transform_indices = #map1}, {transform_indices = #map}]} {
    %mul3A = arith.constant 2 : i32
    %mul3A_0 = arith.muli %arg1, %mul3A : i32
    %add3A = arith.addi %mul3A_0, %arg0 : i32
    %mul3A_1 = arith.constant 25600 : i32
    %mul3A_2 = arith.muli %add3A, %mul3A_1 : i32
    %mul3A_3 = arith.constant 512 : i32
    %mul3A_4 = arith.muli %add3A, %mul3A_3 : i32
    %scan3A = arith.constant 0 : i32
    %scan3A_5 = arith.constant 0 : i32
    %scan3A_6 = arith.constant 8 : i32
    %scan3A_7 = arith.addi %scan3A_5, %scan3A_6 : i32
    %scan3A_8 = arith.constant 1 : i32
    scf.for %scan3A_178 = %scan3A_5 to %scan3A_7 step %scan3A_8  : i32 {
      %broadcast_in_dim3A = arith.constant 0 : i32
      %broadcast_in_dim3A_179 = vector.broadcast %broadcast_in_dim3A : i32 to vector<16xi32>
      %mul3A_180 = arith.constant 16 : i32
      %mul3A_181 = arith.muli %scan3A_178, %mul3A_180 : i32
      %swap3A = arith.index_cast %mul3A_181 : i32 to index
      %swap3A_182 = tpu.vector_load %arg16[%swap3A] {strides = array<i32>} : memref<128xi32, #tpu.memory_space<vmem>>, vector<16xi32>,
      tpu.vector_store %arg16[%swap3A], %broadcast_in_dim3A_179 {strides = array<i32>} : memref<128xi32, #tpu.memory_space<vmem>>, vector<16xi32>,
    }
    %scan3A_9 = arith.constant 8 : i32
    %lt3A = arith.constant 15 : i32
    "tpu.trace_start"() <{level = 10 : i32, message = "pack_build"}> : () -> ()
    %lt3A_10 = arith.cmpi slt, %arg1, %lt3A : i32
    %mul3A_11 = arith.constant 6400 : i32
    %mul3A_12 = arith.muli %arg1, %mul3A_11 : i32
    %jit3A = arith.constant 96000 : i32
    %select_n3A = arith.select %lt3A_10, %mul3A_12, %jit3A : i32
    %lt3A_13 = arith.constant 15 : i32
    %lt3A_14 = arith.cmpi slt, %arg1, %lt3A_13 : i32
    %mul3A_15 = arith.constant 6400 : i32
    %mul3A_16 = arith.muli %arg1, %mul3A_15 : i32
    %add3A_17 = arith.constant 3200 : i32
    %add3A_18 = arith.addi %mul3A_16, %add3A_17 : i32
    %jit3A_19 = arith.constant 96800 : i32
    %select_n3A_20 = arith.select %lt3A_14, %add3A_18, %jit3A_19 : i32
    %add3A_21 = arith.constant 1600 : i32
    %add3A_22 = arith.addi %select_n3A, %add3A_21 : i32
    %add3A_23 = arith.constant 1600 : i32
    %add3A_24 = arith.addi %select_n3A_20, %add3A_23 : i32
    %dma_start3A = tpu.memref_slice %arg3[%select_n3A] : memref<100000xi32, #tpu.memory_space<hbm>> -> memref<1600xi32, #tpu.memory_space<hbm>>
    %dma_start3A_25 = tpu.memref_slice %arg3[%select_n3A] : memref<100000xi32, #tpu.memory_space<hbm>> -> memref<1600xi32, #tpu.memory_space<hbm>>
    tpu.enqueue_dma source(%dma_start3A_25 : memref<1600xi32, #tpu.memory_space<hbm>>) target(%arg10 : memref<1600xi32, #tpu.memory_space<vmem>>) target_semaphore(%arg19 : memref<!tpu.dma_semaphore, #tpu.memory_space<semaphore_mem>>)
    %dma_start3A_26 = tpu.memref_slice %arg2[%select_n3A] : memref<100000xf32, #tpu.memory_space<hbm>> -> memref<1600xf32, #tpu.memory_space<hbm>>
    %dma_start3A_27 = tpu.memref_slice %arg2[%select_n3A] : memref<100000xf32, #tpu.memory_space<hbm>> -> memref<1600xf32, #tpu.memory_space<hbm>>
    tpu.enqueue_dma source(%dma_start3A_27 : memref<1600xf32, #tpu.memory_space<hbm>>) target(%arg12 : memref<1600xf32, #tpu.memory_space<vmem>>) target_semaphore(%arg21 : memref<!tpu.dma_semaphore, #tpu.memory_space<semaphore_mem>>)
    %dma_wait3A = tpu.memref_slice %arg3[%select_n3A] : memref<100000xi32, #tpu.memory_space<hbm>> -> memref<1600xi32, #tpu.memory_space<hbm>>
    %dma_wait3A_28 = tpu.memref_slice %arg3[%select_n3A] : memref<100000xi32, #tpu.memory_space<hbm>> -> memref<1600xi32, #tpu.memory_space<hbm>>
    tpu.wait_dma2 semaphore(%arg19 : memref<!tpu.dma_semaphore, #tpu.memory_space<semaphore_mem>>) src(%dma_wait3A_28 : memref<1600xi32, #tpu.memory_space<hbm>>) dst(%arg10 : memref<1600xi32, #tpu.memory_space<vmem>>)
    %dma_wait3A_29 = tpu.memref_slice %arg2[%select_n3A] : memref<100000xf32, #tpu.memory_space<hbm>> -> memref<1600xf32, #tpu.memory_space<hbm>>
    %dma_wait3A_30 = tpu.memref_slice %arg2[%select_n3A] : memref<100000xf32, #tpu.memory_space<hbm>> -> memref<1600xf32, #tpu.memory_space<hbm>>
    tpu.wait_dma2 semaphore(%arg21 : memref<!tpu.dma_semaphore, #tpu.memory_space<semaphore_mem>>) src(%dma_wait3A_30 : memref<1600xf32, #tpu.memory_space<hbm>>) dst(%arg12 : memref<1600xf32, #tpu.memory_space<vmem>>)
    %dma_start3A_31 = tpu.memref_slice %arg3[%add3A_22] : memref<100000xi32, #tpu.memory_space<hbm>> -> memref<1600xi32, #tpu.memory_space<hbm>>
    %dma_start3A_32 = tpu.memref_slice %arg3[%add3A_22] : memref<100000xi32, #tpu.memory_space<hbm>> -> memref<1600xi32, #tpu.memory_space<hbm>>
    tpu.enqueue_dma source(%dma_start3A_32 : memref<1600xi32, #tpu.memory_space<hbm>>) target(%arg11 : memref<1600xi32, #tpu.memory_space<vmem>>) target_semaphore(%arg20 : memref<!tpu.dma_semaphore, #tpu.memory_space<semaphore_mem>>)
    %dma_start3A_33 = tpu.memref_slice %arg2[%add3A_22] : memref<100000xf32, #tpu.memory_space<hbm>> -> memref<1600xf32, #tpu.memory_space<hbm>>
    %dma_start3A_34 = tpu.memref_slice %arg2[%add3A_22] : memref<100000xf32, #tpu.memory_space<hbm>> -> memref<1600xf32, #tpu.memory_space<hbm>>
    tpu.enqueue_dma source(%dma_start3A_34 : memref<1600xf32, #tpu.memory_space<hbm>>) target(%arg13 : memref<1600xf32, #tpu.memory_space<vmem>>) target_semaphore(%arg22 : memref<!tpu.dma_semaphore, #tpu.memory_space<semaphore_mem>>)
    %parallel_loop3A = arith.constant 0 : i32
    %parallel_loop3A_35 = arith.constant 100 : i32
    %parallel_loop3A_36 = arith.constant 1 : i32
    %parallel_loop3A_37 = arith.constant 0 : i32
    %parallel_loop3A_38 = scf.for %parallel_loop3A_178 = %parallel_loop3A to %parallel_loop3A_35 step %parallel_loop3A_36 iter_args(%parallel_loop3A_179 = %parallel_loop3A_37) -> (i32)  : i32 {
      %parallel_loop3A_180 = arith.constant 16 : i32
      %parallel_loop3A_181 = arith.muli %parallel_loop3A_178, %parallel_loop3A_180 : i32
      %parallel_loop3A_182 = arith.index_cast %parallel_loop3A_181 : i32 to index
      %parallel_loop3A_183 = tpu.vector_load %arg12[%parallel_loop3A_182] {strides = array<i32>} : memref<1600xf32, #tpu.memory_space<vmem>>, vector<16xf32>,
      %parallel_loop3A_184 = arith.constant 3.276800e+04 : f32
      %parallel_loop3A_185 = vector.broadcast %parallel_loop3A_184 : f32 to vector<16xf32>
      %parallel_loop3A_186 = arith.mulf %parallel_loop3A_183, %parallel_loop3A_185 : vector<16xf32>
      %parallel_loop3A_187 = arith.fptosi %parallel_loop3A_186 : vector<16xf32> to vector<16xi32>
      %parallel_loop3A_188 = arith.sitofp %parallel_loop3A_187 : vector<16xi32> to vector<16xf32>
      %parallel_loop3A_189 = arith.cmpf olt, %parallel_loop3A_188, %parallel_loop3A_186 : vector<16xf32>
      %parallel_loop3A_190 = arith.constant 1 : i32
      %parallel_loop3A_191 = arith.constant 0 : i32
      %parallel_loop3A_192 = vector.broadcast %parallel_loop3A_190 : i32 to vector<16xi32>
      %parallel_loop3A_193 = vector.broadcast %parallel_loop3A_191 : i32 to vector<16xi32>
      %parallel_loop3A_194 = arith.select %parallel_loop3A_189, %parallel_loop3A_192, %parallel_loop3A_193 : vector<16xi1>, vector<16xi32>
      %parallel_loop3A_195 = arith.addi %parallel_loop3A_187, %parallel_loop3A_194 : vector<16xi32>
      %parallel_loop3A_196 = arith.constant 32767 : i32
      %parallel_loop3A_197 = vector.broadcast %parallel_loop3A_196 : i32 to vector<16xi32>
      %parallel_loop3A_198 = arith.minsi %parallel_loop3A_195, %parallel_loop3A_197 : vector<16xi32>
      %parallel_loop3A_199 = arith.constant 17 : i32
      %parallel_loop3A_200 = vector.broadcast %parallel_loop3A_199 : i32 to vector<16xi32>
      %parallel_loop3A_201 = arith.shli %parallel_loop3A_198, %parallel_loop3A_200 : vector<16xi32>
      %parallel_loop3A_202 = arith.index_cast %parallel_loop3A_181 : i32 to index
      %parallel_loop3A_203 = tpu.vector_load %arg10[%parallel_loop3A_202] {strides = array<i32>} : memref<1600xi32, #tpu.memory_space<vmem>>, vector<16xi32>,
      %parallel_loop3A_204 = arith.ori %parallel_loop3A_201, %parallel_loop3A_203 : vector<16xi32>
      %parallel_loop3A_205 = arith.index_cast %parallel_loop3A_181 : i32 to index
      %parallel_loop3A_206 = tpu.vector_load %arg10[%parallel_loop3A_205] {strides = array<i32>} : memref<1600xi32, #tpu.memory_space<vmem>>, vector<16xi32>,
      tpu.vector_store %arg10[%parallel_loop3A_205], %parallel_loop3A_204 {strides = array<i32>} : memref<1600xi32, #tpu.memory_space<vmem>>, vector<16xi32>,
      scf.yield %parallel_loop3A_179 : i32
    } {sc.loop_unroll_factor = 2 : i64, sc.parallel_access}
    %mul3A_39 = arith.constant 100000 : i32
    %mul3A_40 = arith.muli %arg0, %mul3A_39 : i32
    %add3A_41 = arith.addi %mul3A_40, %select_n3A : i32
    %dma_start3A_42 = tpu.memref_slice %arg7[%add3A_41] : memref<200000xi32, #tpu.memory_space<hbm>> -> memref<1600xi32, #tpu.memory_space<hbm>>
    %dma_start3A_43 = tpu.memref_slice %arg7[%add3A_41] : memref<200000xi32, #tpu.memory_space<hbm>> -> memref<1600xi32, #tpu.memory_space<hbm>>
    tpu.enqueue_dma source(%arg10 : memref<1600xi32, #tpu.memory_space<vmem>>) target(%dma_start3A_43 : memref<1600xi32, #tpu.memory_space<hbm>>) target_semaphore(%arg24 : memref<!tpu.dma_semaphore, #tpu.memory_space<semaphore_mem>>)
    %dma_start3A_44 = tpu.memref_slice %arg9[%select_n3A] : memref<100000xf32, #tpu.memory_space<vmem_shared>> -> memref<1600xf32, #tpu.memory_space<vmem_shared>>
    %dma_start3A_45 = tpu.memref_slice %arg9[%select_n3A] : memref<100000xf32, #tpu.memory_space<vmem_shared>> -> memref<1600xf32, #tpu.memory_space<vmem_shared>>
    tpu.enqueue_dma source(%arg12 : memref<1600xf32, #tpu.memory_space<vmem>>) target(%dma_start3A_45 : memref<1600xf32, #tpu.memory_space<vmem_shared>>) target_semaphore(%arg23 : memref<!tpu.dma_semaphore, #tpu.memory_space<semaphore_mem>>)
    %dma_wait3A_46 = tpu.memref_slice %arg3[%add3A_22] : memref<100000xi32, #tpu.memory_space<hbm>> -> memref<1600xi32, #tpu.memory_space<hbm>>
    %dma_wait3A_47 = tpu.memref_slice %arg3[%add3A_22] : memref<100000xi32, #tpu.memory_space<hbm>> -> memref<1600xi32, #tpu.memory_space<hbm>>
    tpu.wait_dma2 semaphore(%arg20 : memref<!tpu.dma_semaphore, #tpu.memory_space<semaphore_mem>>) src(%dma_wait3A_47 : memref<1600xi32, #tpu.memory_space<hbm>>) dst(%arg11 : memref<1600xi32, #tpu.memory_space<vmem>>)
    %dma_wait3A_48 = tpu.memref_slice %arg2[%add3A_22] : memref<100000xf32, #tpu.memory_space<hbm>> -> memref<1600xf32, #tpu.memory_space<hbm>>
    %dma_wait3A_49 = tpu.memref_slice %arg2[%add3A_22] : memref<100000xf32, #tpu.memory_space<hbm>> -> memref<1600xf32, #tpu.memory_space<hbm>>
    tpu.wait_dma2 semaphore(%arg22 : memref<!tpu.dma_semaphore, #tpu.memory_space<semaphore_mem>>) src(%dma_wait3A_49 : memref<1600xf32, #tpu.memory_space<hbm>>) dst(%arg13 : memref<1600xf32, #tpu.memory_space<vmem>>)
    %dma_wait3A_50 = tpu.memref_slice %arg7[%add3A_41] : memref<200000xi32, #tpu.memory_space<hbm>> -> memref<1600xi32, #tpu.memory_space<hbm>>
    %dma_wait3A_51 = tpu.memref_slice %arg7[%add3A_41] : memref<200000xi32, #tpu.memory_space<hbm>> -> memref<1600xi32, #tpu.memory_space<hbm>>
    tpu.wait_dma2 semaphore(%arg24 : memref<!tpu.dma_semaphore, #tpu.memory_space<semaphore_mem>>) src(%arg10 : memref<1600xi32, #tpu.memory_space<vmem>>) dst(%dma_wait3A_51 : memref<1600xi32, #tpu.memory_space<hbm>>)
    %dma_wait3A_52 = tpu.memref_slice %arg9[%select_n3A] : memref<100000xf32, #tpu.memory_space<vmem_shared>> -> memref<1600xf32, #tpu.memory_space<vmem_shared>>
    %dma_wait3A_53 = tpu.memref_slice %arg9[%select_n3A] : memref<100000xf32, #tpu.memory_space<vmem_shared>> -> memref<1600xf32, #tpu.memory_space<vmem_shared>>
    tpu.wait_dma2 semaphore(%arg23 : memref<!tpu.dma_semaphore, #tpu.memory_space<semaphore_mem>>) src(%arg12 : memref<1600xf32, #tpu.memory_space<vmem>>) dst(%dma_wait3A_53 : memref<1600xf32, #tpu.memory_space<vmem_shared>>)
    %dma_start3A_54 = tpu.memref_slice %arg3[%select_n3A_20] : memref<100000xi32, #tpu.memory_space<hbm>> -> memref<1600xi32, #tpu.memory_space<hbm>>
    %dma_start3A_55 = tpu.memref_slice %arg3[%select_n3A_20] : memref<100000xi32, #tpu.memory_space<hbm>> -> memref<1600xi32, #tpu.memory_space<hbm>>
    tpu.enqueue_dma source(%dma_start3A_55 : memref<1600xi32, #tpu.memory_space<hbm>>) target(%arg10 : memref<1600xi32, #tpu.memory_space<vmem>>) target_semaphore(%arg19 : memref<!tpu.dma_semaphore, #tpu.memory_space<semaphore_mem>>)
    %dma_start3A_56 = tpu.memref_slice %arg2[%select_n3A_20] : memref<100000xf32, #tpu.memory_space<hbm>> -> memref<1600xf32, #tpu.memory_space<hbm>>
    %dma_start3A_57 = tpu.memref_slice %arg2[%select_n3A_20] : memref<100000xf32, #tpu.memory_space<hbm>> -> memref<1600xf32, #tpu.memory_space<hbm>>
    tpu.enqueue_dma source(%dma_start3A_57 : memref<1600xf32, #tpu.memory_space<hbm>>) target(%arg12 : memref<1600xf32, #tpu.memory_space<vmem>>) target_semaphore(%arg21 : memref<!tpu.dma_semaphore, #tpu.memory_space<semaphore_mem>>)
    %parallel_loop3A_58 = arith.constant 0 : i32
    %parallel_loop3A_59 = arith.constant 100 : i32
    %parallel_loop3A_60 = arith.constant 1 : i32
    %parallel_loop3A_61 = arith.constant 0 : i32
    %parallel_loop3A_62 = scf.for %parallel_loop3A_178 = %parallel_loop3A_58 to %parallel_loop3A_59 step %parallel_loop3A_60 iter_args(%parallel_loop3A_179 = %parallel_loop3A_61) -> (i32)  : i32 {
      %parallel_loop3A_180 = arith.constant 16 : i32
      %parallel_loop3A_181 = arith.muli %parallel_loop3A_178, %parallel_loop3A_180 : i32
      %parallel_loop3A_182 = arith.index_cast %parallel_loop3A_181 : i32 to index
      %parallel_loop3A_183 = tpu.vector_load %arg13[%parallel_loop3A_182] {strides = array<i32>} : memref<1600xf32, #tpu.memory_space<vmem>>, vector<16xf32>,
      %parallel_loop3A_184 = arith.constant 3.276800e+04 : f32
      %parallel_loop3A_185 = vector.broadcast %parallel_loop3A_184 : f32 to vector<16xf32>
      %parallel_loop3A_186 = arith.mulf %parallel_loop3A_183, %parallel_loop3A_185 : vector<16xf32>
      %parallel_loop3A_187 = arith.fptosi %parallel_loop3A_186 : vector<16xf32> to vector<16xi32>
      %parallel_loop3A_188 = arith.sitofp %parallel_loop3A_187 : vector<16xi32> to vector<16xf32>
      %parallel_loop3A_189 = arith.cmpf olt, %parallel_loop3A_188, %parallel_loop3A_186 : vector<16xf32>
      %parallel_loop3A_190 = arith.constant 1 : i32
      %parallel_loop3A_191 = arith.constant 0 : i32
      %parallel_loop3A_192 = vector.broadcast %parallel_loop3A_190 : i32 to vector<16xi32>
      %parallel_loop3A_193 = vector.broadcast %parallel_loop3A_191 : i32 to vector<16xi32>
      %parallel_loop3A_194 = arith.select %parallel_loop3A_189, %parallel_loop3A_192, %parallel_loop3A_193 : vector<16xi1>, vector<16xi32>
      %parallel_loop3A_195 = arith.addi %parallel_loop3A_187, %parallel_loop3A_194 : vector<16xi32>
      %parallel_loop3A_196 = arith.constant 32767 : i32
      %parallel_loop3A_197 = vector.broadcast %parallel_loop3A_196 : i32 to vector<16xi32>
      %parallel_loop3A_198 = arith.minsi %parallel_loop3A_195, %parallel_loop3A_197 : vector<16xi32>
      %parallel_loop3A_199 = arith.constant 17 : i32
      %parallel_loop3A_200 = vector.broadcast %parallel_loop3A_199 : i32 to vector<16xi32>
      %parallel_loop3A_201 = arith.shli %parallel_loop3A_198, %parallel_loop3A_200 : vector<16xi32>
      %parallel_loop3A_202 = arith.index_cast %parallel_loop3A_181 : i32 to index
      %parallel_loop3A_203 = tpu.vector_load %arg11[%parallel_loop3A_202] {strides = array<i32>} : memref<1600xi32, #tpu.memory_space<vmem>>, vector<16xi32>,
      %parallel_loop3A_204 = arith.ori %parallel_loop3A_201, %parallel_loop3A_203 : vector<16xi32>
      %parallel_loop3A_205 = arith.index_cast %parallel_loop3A_181 : i32 to index
      %parallel_loop3A_206 = tpu.vector_load %arg11[%parallel_loop3A_205] {strides = array<i32>} : memref<1600xi32, #tpu.memory_space<vmem>>, vector<16xi32>,
      tpu.vector_store %arg11[%parallel_loop3A_205], %parallel_loop3A_204 {strides = array<i32>} : memref<1600xi32, #tpu.memory_space<vmem>>, vector<16xi32>,
      scf.yield %parallel_loop3A_179 : i32
    } {sc.loop_unroll_factor = 2 : i64, sc.parallel_access}
    %mul3A_63 = arith.constant 100000 : i32
    %mul3A_64 = arith.muli %arg0, %mul3A_63 : i32
    %add3A_65 = arith.addi %mul3A_64, %add3A_22 : i32
    %dma_start3A_66 = tpu.memref_slice %arg7[%add3A_65] : memref<200000xi32, #tpu.memory_space<hbm>> -> memref<1600xi32, #tpu.memory_space<hbm>>
    %dma_start3A_67 = tpu.memref_slice %arg7[%add3A_65] : memref<200000xi32, #tpu.memory_space<hbm>> -> memref<1600xi32, #tpu.memory_space<hbm>>
    tpu.enqueue_dma source(%arg11 : memref<1600xi32, #tpu.memory_space<vmem>>) target(%dma_start3A_67 : memref<1600xi32, #tpu.memory_space<hbm>>) target_semaphore(%arg25 : memref<!tpu.dma_semaphore, #tpu.memory_space<semaphore_mem>>)
    %dma_start3A_68 = tpu.memref_slice %arg9[%add3A_22] : memref<100000xf32, #tpu.memory_space<vmem_shared>> -> memref<1600xf32, #tpu.memory_space<vmem_shared>>
    %dma_start3A_69 = tpu.memref_slice %arg9[%add3A_22] : memref<100000xf32, #tpu.memory_space<vmem_shared>> -> memref<1600xf32, #tpu.memory_space<vmem_shared>>
    tpu.enqueue_dma source(%arg13 : memref<1600xf32, #tpu.memory_space<vmem>>) target(%dma_start3A_69 : memref<1600xf32, #tpu.memory_space<vmem_shared>>) target_semaphore(%arg23 : memref<!tpu.dma_semaphore, #tpu.memory_space<semaphore_mem>>)
    %dma_wait3A_70 = tpu.memref_slice %arg3[%select_n3A_20] : memref<100000xi32, #tpu.memory_space<hbm>> -> memref<1600xi32, #tpu.memory_space<hbm>>
    %dma_wait3A_71 = tpu.memref_slice %arg3[%select_n3A_20] : memref<100000xi32, #tpu.memory_space<hbm>> -> memref<1600xi32, #tpu.memory_space<hbm>>
    tpu.wait_dma2 semaphore(%arg19 : memref<!tpu.dma_semaphore, #tpu.memory_space<semaphore_mem>>) src(%dma_wait3A_71 : memref<1600xi32, #tpu.memory_space<hbm>>) dst(%arg10 : memref<1600xi32, #tpu.memory_space<vmem>>)
    %dma_wait3A_72 = tpu.memref_slice %arg2[%select_n3A_20] : memref<100000xf32, #tpu.memory_space<hbm>> -> memref<1600xf32, #tpu.memory_space<hbm>>
    %dma_wait3A_73 = tpu.memref_slice %arg2[%select_n3A_20] : memref<100000xf32, #tpu.memory_space<hbm>> -> memref<1600xf32, #tpu.memory_space<hbm>>
    tpu.wait_dma2 semaphore(%arg21 : memref<!tpu.dma_semaphore, #tpu.memory_space<semaphore_mem>>) src(%dma_wait3A_73 : memref<1600xf32, #tpu.memory_space<hbm>>) dst(%arg12 : memref<1600xf32, #tpu.memory_space<vmem>>)
    %dma_wait3A_74 = tpu.memref_slice %arg7[%add3A_65] : memref<200000xi32, #tpu.memory_space<hbm>> -> memref<1600xi32, #tpu.memory_space<hbm>>
    %dma_wait3A_75 = tpu.memref_slice %arg7[%add3A_65] : memref<200000xi32, #tpu.memory_space<hbm>> -> memref<1600xi32, #tpu.memory_space<hbm>>
    tpu.wait_dma2 semaphore(%arg25 : memref<!tpu.dma_semaphore, #tpu.memory_space<semaphore_mem>>) src(%arg11 : memref<1600xi32, #tpu.memory_space<vmem>>) dst(%dma_wait3A_75 : memref<1600xi32, #tpu.memory_space<hbm>>)
    %dma_wait3A_76 = tpu.memref_slice %arg9[%add3A_22] : memref<100000xf32, #tpu.memory_space<vmem_shared>> -> memref<1600xf32, #tpu.memory_space<vmem_shared>>
    %dma_wait3A_77 = tpu.memref_slice %arg9[%add3A_22] : memref<100000xf32, #tpu.memory_space<vmem_shared>> -> memref<1600xf32, #tpu.memory_space<vmem_shared>>
    tpu.wait_dma2 semaphore(%arg23 : memref<!tpu.dma_semaphore, #tpu.memory_space<semaphore_mem>>) src(%arg13 : memref<1600xf32, #tpu.memory_space<vmem>>) dst(%dma_wait3A_77 : memref<1600xf32, #tpu.memory_space<vmem_shared>>)
    %dma_start3A_78 = tpu.memref_slice %arg3[%add3A_24] : memref<100000xi32, #tpu.memory_space<hbm>> -> memref<1600xi32, #tpu.memory_space<hbm>>
    %dma_start3A_79 = tpu.memref_slice %arg3[%add3A_24] : memref<100000xi32, #tpu.memory_space<hbm>> -> memref<1600xi32, #tpu.memory_space<hbm>>
    tpu.enqueue_dma source(%dma_start3A_79 : memref<1600xi32, #tpu.memory_space<hbm>>) target(%arg11 : memref<1600xi32, #tpu.memory_space<vmem>>) target_semaphore(%arg20 : memref<!tpu.dma_semaphore, #tpu.memory_space<semaphore_mem>>)
    %dma_start3A_80 = tpu.memref_slice %arg2[%add3A_24] : memref<100000xf32, #tpu.memory_space<hbm>> -> memref<1600xf32, #tpu.memory_space<hbm>>
    %dma_start3A_81 = tpu.memref_slice %arg2[%add3A_24] : memref<100000xf32, #tpu.memory_space<hbm>> -> memref<1600xf32, #tpu.memory_space<hbm>>
    tpu.enqueue_dma source(%dma_start3A_81 : memref<1600xf32, #tpu.memory_space<hbm>>) target(%arg13 : memref<1600xf32, #tpu.memory_space<vmem>>) target_semaphore(%arg22 : memref<!tpu.dma_semaphore, #tpu.memory_space<semaphore_mem>>)
    %parallel_loop3A_82 = arith.constant 0 : i32
    %parallel_loop3A_83 = arith.constant 100 : i32
    %parallel_loop3A_84 = arith.constant 1 : i32
    %parallel_loop3A_85 = arith.constant 0 : i32
    %parallel_loop3A_86 = scf.for %parallel_loop3A_178 = %parallel_loop3A_82 to %parallel_loop3A_83 step %parallel_loop3A_84 iter_args(%parallel_loop3A_179 = %parallel_loop3A_85) -> (i32)  : i32 {
      %parallel_loop3A_180 = arith.constant 16 : i32
      %parallel_loop3A_181 = arith.muli %parallel_loop3A_178, %parallel_loop3A_180 : i32
      %parallel_loop3A_182 = arith.index_cast %parallel_loop3A_181 : i32 to index
      %parallel_loop3A_183 = tpu.vector_load %arg12[%parallel_loop3A_182] {strides = array<i32>} : memref<1600xf32, #tpu.memory_space<vmem>>, vector<16xf32>,
      %parallel_loop3A_184 = arith.constant 3.276800e+04 : f32
      %parallel_loop3A_185 = vector.broadcast %parallel_loop3A_184 : f32 to vector<16xf32>
      %parallel_loop3A_186 = arith.mulf %parallel_loop3A_183, %parallel_loop3A_185 : vector<16xf32>
      %parallel_loop3A_187 = arith.fptosi %parallel_loop3A_186 : vector<16xf32> to vector<16xi32>
      %parallel_loop3A_188 = arith.sitofp %parallel_loop3A_187 : vector<16xi32> to vector<16xf32>
      %parallel_loop3A_189 = arith.cmpf olt, %parallel_loop3A_188, %parallel_loop3A_186 : vector<16xf32>
      %parallel_loop3A_190 = arith.constant 1 : i32
      %parallel_loop3A_191 = arith.constant 0 : i32
      %parallel_loop3A_192 = vector.broadcast %parallel_loop3A_190 : i32 to vector<16xi32>
      %parallel_loop3A_193 = vector.broadcast %parallel_loop3A_191 : i32 to vector<16xi32>
      %parallel_loop3A_194 = arith.select %parallel_loop3A_189, %parallel_loop3A_192, %parallel_loop3A_193 : vector<16xi1>, vector<16xi32>
      %parallel_loop3A_195 = arith.addi %parallel_loop3A_187, %parallel_loop3A_194 : vector<16xi32>
      %parallel_loop3A_196 = arith.constant 32767 : i32
      %parallel_loop3A_197 = vector.broadcast %parallel_loop3A_196 : i32 to vector<16xi32>
      %parallel_loop3A_198 = arith.minsi %parallel_loop3A_195, %parallel_loop3A_197 : vector<16xi32>
      %parallel_loop3A_199 = arith.constant 17 : i32
      %parallel_loop3A_200 = vector.broadcast %parallel_loop3A_199 : i32 to vector<16xi32>
      %parallel_loop3A_201 = arith.shli %parallel_loop3A_198, %parallel_loop3A_200 : vector<16xi32>
      %parallel_loop3A_202 = arith.index_cast %parallel_loop3A_181 : i32 to index
      %parallel_loop3A_203 = tpu.vector_load %arg10[%parallel_loop3A_202] {strides = array<i32>} : memref<1600xi32, #tpu.memory_space<vmem>>, vector<16xi32>,
      %parallel_loop3A_204 = arith.ori %parallel_loop3A_201, %parallel_loop3A_203 : vector<16xi32>
      %parallel_loop3A_205 = arith.index_cast %parallel_loop3A_181 : i32 to index
      %parallel_loop3A_206 = tpu.vector_load %arg10[%parallel_loop3A_205] {strides = array<i32>} : memref<1600xi32, #tpu.memory_space<vmem>>, vector<16xi32>,
      tpu.vector_store %arg10[%parallel_loop3A_205], %parallel_loop3A_204 {strides = array<i32>} : memref<1600xi32, #tpu.memory_space<vmem>>, vector<16xi32>,
      scf.yield %parallel_loop3A_179 : i32
    } {sc.loop_unroll_factor = 2 : i64, sc.parallel_access}
    %mul3A_87 = arith.constant 100000 : i32
    %mul3A_88 = arith.muli %arg0, %mul3A_87 : i32
    %add3A_89 = arith.addi %mul3A_88, %select_n3A_20 : i32
    %dma_start3A_90 = tpu.memref_slice %arg7[%add3A_89] : memref<200000xi32, #tpu.memory_space<hbm>> -> memref<1600xi32, #tpu.memory_space<hbm>>
    %dma_start3A_91 = tpu.memref_slice %arg7[%add3A_89] : memref<200000xi32, #tpu.memory_space<hbm>> -> memref<1600xi32, #tpu.memory_space<hbm>>
    tpu.enqueue_dma source(%arg10 : memref<1600xi32, #tpu.memory_space<vmem>>) target(%dma_start3A_91 : memref<1600xi32, #tpu.memory_space<hbm>>) target_semaphore(%arg24 : memref<!tpu.dma_semaphore, #tpu.memory_space<semaphore_mem>>)
    %dma_start3A_92 = tpu.memref_slice %arg9[%select_n3A_20] : memref<100000xf32, #tpu.memory_space<vmem_shared>> -> memref<1600xf32, #tpu.memory_space<vmem_shared>>
    %dma_start3A_93 = tpu.memref_slice %arg9[%select_n3A_20] : memref<100000xf32, #tpu.memory_space<vmem_shared>> -> memref<1600xf32, #tpu.memory_space<vmem_shared>>
    tpu.enqueue_dma source(%arg12 : memref<1600xf32, #tpu.memory_space<vmem>>) target(%dma_start3A_93 : memref<1600xf32, #tpu.memory_space<vmem_shared>>) target_semaphore(%arg23 : memref<!tpu.dma_semaphore, #tpu.memory_space<semaphore_mem>>)
    %dma_wait3A_94 = tpu.memref_slice %arg3[%add3A_24] : memref<100000xi32, #tpu.memory_space<hbm>> -> memref<1600xi32, #tpu.memory_space<hbm>>
    %dma_wait3A_95 = tpu.memref_slice %arg3[%add3A_24] : memref<100000xi32, #tpu.memory_space<hbm>> -> memref<1600xi32, #tpu.memory_space<hbm>>
    tpu.wait_dma2 semaphore(%arg20 : memref<!tpu.dma_semaphore, #tpu.memory_space<semaphore_mem>>) src(%dma_wait3A_95 : memref<1600xi32, #tpu.memory_space<hbm>>) dst(%arg11 : memref<1600xi32, #tpu.memory_space<vmem>>)
    %dma_wait3A_96 = tpu.memref_slice %arg2[%add3A_24] : memref<100000xf32, #tpu.memory_space<hbm>> -> memref<1600xf32, #tpu.memory_space<hbm>>
    %dma_wait3A_97 = tpu.memref_slice %arg2[%add3A_24] : memref<100000xf32, #tpu.memory_space<hbm>> -> memref<1600xf32, #tpu.memory_space<hbm>>
    tpu.wait_dma2 semaphore(%arg22 : memref<!tpu.dma_semaphore, #tpu.memory_space<semaphore_mem>>) src(%dma_wait3A_97 : memref<1600xf32, #tpu.memory_space<hbm>>) dst(%arg13 : memref<1600xf32, #tpu.memory_space<vmem>>)
    %parallel_loop3A_98 = arith.constant 0 : i32
    %parallel_loop3A_99 = arith.constant 100 : i32
    %parallel_loop3A_100 = arith.constant 1 : i32
    %parallel_loop3A_101 = arith.constant 0 : i32
    %parallel_loop3A_102 = scf.for %parallel_loop3A_178 = %parallel_loop3A_98 to %parallel_loop3A_99 step %parallel_loop3A_100 iter_args(%parallel_loop3A_179 = %parallel_loop3A_101) -> (i32)  : i32 {
      %parallel_loop3A_180 = arith.constant 16 : i32
      %parallel_loop3A_181 = arith.muli %parallel_loop3A_178, %parallel_loop3A_180 : i32
      %parallel_loop3A_182 = arith.index_cast %parallel_loop3A_181 : i32 to index
      %parallel_loop3A_183 = tpu.vector_load %arg13[%parallel_loop3A_182] {strides = array<i32>} : memref<1600xf32, #tpu.memory_space<vmem>>, vector<16xf32>,
      %parallel_loop3A_184 = arith.constant 3.276800e+04 : f32
      %parallel_loop3A_185 = vector.broadcast %parallel_loop3A_184 : f32 to vector<16xf32>
      %parallel_loop3A_186 = arith.mulf %parallel_loop3A_183, %parallel_loop3A_185 : vector<16xf32>
      %parallel_loop3A_187 = arith.fptosi %parallel_loop3A_186 : vector<16xf32> to vector<16xi32>
      %parallel_loop3A_188 = arith.sitofp %parallel_loop3A_187 : vector<16xi32> to vector<16xf32>
      %parallel_loop3A_189 = arith.cmpf olt, %parallel_loop3A_188, %parallel_loop3A_186 : vector<16xf32>
      %parallel_loop3A_190 = arith.constant 1 : i32
      %parallel_loop3A_191 = arith.constant 0 : i32
      %parallel_loop3A_192 = vector.broadcast %parallel_loop3A_190 : i32 to vector<16xi32>
      %parallel_loop3A_193 = vector.broadcast %parallel_loop3A_191 : i32 to vector<16xi32>
      %parallel_loop3A_194 = arith.select %parallel_loop3A_189, %parallel_loop3A_192, %parallel_loop3A_193 : vector<16xi1>, vector<16xi32>
      %parallel_loop3A_195 = arith.addi %parallel_loop3A_187, %parallel_loop3A_194 : vector<16xi32>
      %parallel_loop3A_196 = arith.constant 32767 : i32
      %parallel_loop3A_197 = vector.broadcast %parallel_loop3A_196 : i32 to vector<16xi32>
      %parallel_loop3A_198 = arith.minsi %parallel_loop3A_195, %parallel_loop3A_197 : vector<16xi32>
      %parallel_loop3A_199 = arith.constant 17 : i32
      %parallel_loop3A_200 = vector.broadcast %parallel_loop3A_199 : i32 to vector<16xi32>
      %parallel_loop3A_201 = arith.shli %parallel_loop3A_198, %parallel_loop3A_200 : vector<16xi32>
      %parallel_loop3A_202 = arith.index_cast %parallel_loop3A_181 : i32 to index
      %parallel_loop3A_203 = tpu.vector_load %arg11[%parallel_loop3A_202] {strides = array<i32>} : memref<1600xi32, #tpu.memory_space<vmem>>, vector<16xi32>,
      %parallel_loop3A_204 = arith.ori %parallel_loop3A_201, %parallel_loop3A_203 : vector<16xi32>
      %parallel_loop3A_205 = arith.index_cast %parallel_loop3A_181 : i32 to index
      %parallel_loop3A_206 = tpu.vector_load %arg11[%parallel_loop3A_205] {strides = array<i32>} : memref<1600xi32, #tpu.memory_space<vmem>>, vector<16xi32>,
      tpu.vector_store %arg11[%parallel_loop3A_205], %parallel_loop3A_204 {strides = array<i32>} : memref<1600xi32, #tpu.memory_space<vmem>>, vector<16xi32>,
      scf.yield %parallel_loop3A_179 : i32
    } {sc.loop_unroll_factor = 2 : i64, sc.parallel_access}
    %mul3A_103 = arith.constant 100000 : i32
    %mul3A_104 = arith.muli %arg0, %mul3A_103 : i32
    %add3A_105 = arith.addi %mul3A_104, %add3A_24 : i32
    %dma_start3A_106 = tpu.memref_slice %arg7[%add3A_105] : memref<200000xi32, #tpu.memory_space<hbm>> -> memref<1600xi32, #tpu.memory_space<hbm>>
    %dma_start3A_107 = tpu.memref_slice %arg7[%add3A_105] : memref<200000xi32, #tpu.memory_space<hbm>> -> memref<1600xi32, #tpu.memory_space<hbm>>
    tpu.enqueue_dma source(%arg11 : memref<1600xi32, #tpu.memory_space<vmem>>) target(%dma_start3A_107 : memref<1600xi32, #tpu.memory_space<hbm>>) target_semaphore(%arg25 : memref<!tpu.dma_semaphore, #tpu.memory_space<semaphore_mem>>)
    %dma_start3A_108 = tpu.memref_slice %arg9[%add3A_24] : memref<100000xf32, #tpu.memory_space<vmem_shared>> -> memref<1600xf32, #tpu.memory_space<vmem_shared>>
    %dma_start3A_109 = tpu.memref_slice %arg9[%add3A_24] : memref<100000xf32, #tpu.memory_space<vmem_shared>> -> memref<1600xf32, #tpu.memory_space<vmem_shared>>
    tpu.enqueue_dma source(%arg13 : memref<1600xf32, #tpu.memory_space<vmem>>) target(%dma_start3A_109 : memref<1600xf32, #tpu.memory_space<vmem_shared>>) target_semaphore(%arg23 : memref<!tpu.dma_semaphore, #tpu.memory_space<semaphore_mem>>)
    %dma_wait3A_110 = tpu.memref_slice %arg7[%add3A_89] : memref<200000xi32, #tpu.memory_space<hbm>> -> memref<1600xi32, #tpu.memory_space<hbm>>
    %dma_wait3A_111 = tpu.memref_slice %arg7[%add3A_89] : memref<200000xi32, #tpu.memory_space<hbm>> -> memref<1600xi32, #tpu.memory_space<hbm>>
    tpu.wait_dma2 semaphore(%arg24 : memref<!tpu.dma_semaphore, #tpu.memory_space<semaphore_mem>>) src(%arg10 : memref<1600xi32, #tpu.memory_space<vmem>>) dst(%dma_wait3A_111 : memref<1600xi32, #tpu.memory_space<hbm>>)
    %dma_wait3A_112 = tpu.memref_slice %arg9[%select_n3A_20] : memref<100000xf32, #tpu.memory_space<vmem_shared>> -> memref<1600xf32, #tpu.memory_space<vmem_shared>>
    %dma_wait3A_113 = tpu.memref_slice %arg9[%select_n3A_20] : memref<100000xf32, #tpu.memory_space<vmem_shared>> -> memref<1600xf32, #tpu.memory_space<vmem_shared>>
    tpu.wait_dma2 semaphore(%arg23 : memref<!tpu.dma_semaphore, #tpu.memory_space<semaphore_mem>>) src(%arg12 : memref<1600xf32, #tpu.memory_space<vmem>>) dst(%dma_wait3A_113 : memref<1600xf32, #tpu.memory_space<vmem_shared>>)
    %dma_wait3A_114 = tpu.memref_slice %arg7[%add3A_105] : memref<200000xi32, #tpu.memory_space<hbm>> -> memref<1600xi32, #tpu.memory_space<hbm>>
    %dma_wait3A_115 = tpu.memref_slice %arg7[%add3A_105] : memref<200000xi32, #tpu.memory_space<hbm>> -> memref<1600xi32, #tpu.memory_space<hbm>>
    tpu.wait_dma2 semaphore(%arg25 : memref<!tpu.dma_semaphore, #tpu.memory_space<semaphore_mem>>) src(%arg11 : memref<1600xi32, #tpu.memory_space<vmem>>) dst(%dma_wait3A_115 : memref<1600xi32, #tpu.memory_space<hbm>>)
    %dma_wait3A_116 = tpu.memref_slice %arg9[%add3A_24] : memref<100000xf32, #tpu.memory_space<vmem_shared>> -> memref<1600xf32, #tpu.memory_space<vmem_shared>>
    %dma_wait3A_117 = tpu.memref_slice %arg9[%add3A_24] : memref<100000xf32, #tpu.memory_space<vmem_shared>> -> memref<1600xf32, #tpu.memory_space<vmem_shared>>
    tpu.wait_dma2 semaphore(%arg23 : memref<!tpu.dma_semaphore, #tpu.memory_space<semaphore_mem>>) src(%arg13 : memref<1600xf32, #tpu.memory_space<vmem>>) dst(%dma_wait3A_117 : memref<1600xf32, #tpu.memory_space<vmem_shared>>)
    %barrier3A = arith.constant 0 : index
    tpu.barrier barrier_id(%barrier3A)
    "tpu.trace_stop"() : () -> ()
    %add3A_118 = arith.constant 0 : i32
    %add3A_119 = arith.addi %mul3A_2, %add3A_118 : i32
    %dma_start3A_120 = tpu.memref_slice %arg4[%add3A_119] : memref<819200xi32, #tpu.memory_space<hbm>> -> memref<1600xi32, #tpu.memory_space<hbm>>
    %dma_start3A_121 = tpu.memref_slice %arg4[%add3A_119] : memref<819200xi32, #tpu.memory_space<hbm>> -> memref<1600xi32, #tpu.memory_space<hbm>>
    tpu.enqueue_dma source(%dma_start3A_121 : memref<1600xi32, #tpu.memory_space<hbm>>) target(%arg10 : memref<1600xi32, #tpu.memory_space<vmem>>) target_semaphore(%arg19 : memref<!tpu.dma_semaphore, #tpu.memory_space<semaphore_mem>>)
    %dma_start3A_122 = tpu.memref_slice %arg5[%add3A_119] : memref<819200xf32, #tpu.memory_space<hbm>> -> memref<1600xf32, #tpu.memory_space<hbm>>
    %dma_start3A_123 = tpu.memref_slice %arg5[%add3A_119] : memref<819200xf32, #tpu.memory_space<hbm>> -> memref<1600xf32, #tpu.memory_space<hbm>>
    tpu.enqueue_dma source(%dma_start3A_123 : memref<1600xf32, #tpu.memory_space<hbm>>) target(%arg12 : memref<1600xf32, #tpu.memory_space<vmem>>) target_semaphore(%arg21 : memref<!tpu.dma_semaphore, #tpu.memory_space<semaphore_mem>>)
    %add3A_124 = arith.constant 1600 : i32
    %add3A_125 = arith.addi %mul3A_2, %add3A_124 : i32
    %dma_start3A_126 = tpu.memref_slice %arg4[%add3A_125] : memref<819200xi32, #tpu.memory_space<hbm>> -> memref<1600xi32, #tpu.memory_space<hbm>>
    %dma_start3A_127 = tpu.memref_slice %arg4[%add3A_125] : memref<819200xi32, #tpu.memory_space<hbm>> -> memref<1600xi32, #tpu.memory_space<hbm>>
    tpu.enqueue_dma source(%dma_start3A_127 : memref<1600xi32, #tpu.memory_space<hbm>>) target(%arg11 : memref<1600xi32, #tpu.memory_space<vmem>>) target_semaphore(%arg20 : memref<!tpu.dma_semaphore, #tpu.memory_space<semaphore_mem>>)
    %dma_start3A_128 = tpu.memref_slice %arg5[%add3A_125] : memref<819200xf32, #tpu.memory_space<hbm>> -> memref<1600xf32, #tpu.memory_space<hbm>>
    %dma_start3A_129 = tpu.memref_slice %arg5[%add3A_125] : memref<819200xf32, #tpu.memory_space<hbm>> -> memref<1600xf32, #tpu.memory_space<hbm>>
    tpu.enqueue_dma source(%dma_start3A_129 : memref<1600xf32, #tpu.memory_space<hbm>>) target(%arg13 : memref<1600xf32, #tpu.memory_space<vmem>>) target_semaphore(%arg22 : memref<!tpu.dma_semaphore, #tpu.memory_space<semaphore_mem>>)
    "tpu.trace_start"() <{level = 10 : i32, message = "pack_pull"}> : () -> ()
    %mul3A_130 = arith.constant 100000 : i32
    %mul3A_131 = arith.muli %arg0, %mul3A_130 : i32
    %dma_start3A_132 = arith.constant 0 : i32
    %dma_start3A_133 = tpu.memref_slice %arg8[%dma_start3A_132] : memref<100000xi32, #tpu.memory_space<vmem>> -> memref<50000xi32, #tpu.memory_space<vmem>>
    %dma_start3A_134 = tpu.memref_slice %arg7[%mul3A_131] : memref<200000xi32, #tpu.memory_space<hbm>> -> memref<50000xi32, #tpu.memory_space<hbm>>
    %dma_start3A_135 = arith.constant 0 : i32
    %dma_start3A_136 = tpu.memref_slice %arg8[%dma_start3A_135] : memref<100000xi32, #tpu.memory_space<vmem>> -> memref<50000xi32, #tpu.memory_space<vmem>>
    %dma_start3A_137 = tpu.memref_slice %arg7[%mul3A_131] : memref<200000xi32, #tpu.memory_space<hbm>> -> memref<50000xi32, #tpu.memory_space<hbm>>
    tpu.enqueue_dma source(%dma_start3A_137 : memref<50000xi32, #tpu.memory_space<hbm>>) target(%dma_start3A_136 : memref<50000xi32, #tpu.memory_space<vmem>>) target_semaphore(%arg26 : memref<!tpu.dma_semaphore, #tpu.memory_space<semaphore_mem>>)
    %mul3A_138 = arith.constant 100000 : i32
    %mul3A_139 = arith.muli %arg0, %mul3A_138 : i32
    %add3A_140 = arith.constant 50000 : i32
    %add3A_141 = arith.addi %mul3A_139, %add3A_140 : i32
    %dma_start3A_142 = arith.constant 50000 : i32
    %dma_start3A_143 = tpu.memref_slice %arg8[%dma_start3A_142] : memref<100000xi32, #tpu.memory_space<vmem>> -> memref<50000xi32, #tpu.memory_space<vmem>>
    %dma_start3A_144 = tpu.memref_slice %arg7[%add3A_141] : memref<200000xi32, #tpu.memory_space<hbm>> -> memref<50000xi32, #tpu.memory_space<hbm>>
    %dma_start3A_145 = arith.constant 50000 : i32
    %dma_start3A_146 = tpu.memref_slice %arg8[%dma_start3A_145] : memref<100000xi32, #tpu.memory_space<vmem>> -> memref<50000xi32, #tpu.memory_space<vmem>>
    %dma_start3A_147 = tpu.memref_slice %arg7[%add3A_141] : memref<200000xi32, #tpu.memory_space<hbm>> -> memref<50000xi32, #tpu.memory_space<hbm>>
    tpu.enqueue_dma source(%dma_start3A_147 : memref<50000xi32, #tpu.memory_space<hbm>>) target(%dma_start3A_146 : memref<50000xi32, #tpu.memory_space<vmem>>) target_semaphore(%arg27 : memref<!tpu.dma_semaphore, #tpu.memory_space<semaphore_mem>>)
    %dma_wait3A_148 = arith.constant 0 : i32
    %dma_wait3A_149 = tpu.memref_slice %arg8[%dma_wait3A_148] : memref<100000xi32, #tpu.memory_space<vmem>> -> memref<50000xi32, #tpu.memory_space<vmem>>
    %dma_wait3A_150 = tpu.memref_slice %arg7[%mul3A_131] : memref<200000xi32, #tpu.memory_space<hbm>> -> memref<50000xi32, #tpu.memory_space<hbm>>
    %dma_wait3A_151 = arith.constant 0 : i32
    %dma_wait3A_152 = tpu.memref_slice %arg8[%dma_wait3A_151] : memref<100000xi32, #tpu.memory_space<vmem>> -> memref<50000xi32, #tpu.memory_space<vmem>>
    %dma_wait3A_153 = tpu.memref_slice %arg7[%mul3A_131] : memref<200000xi32, #tpu.memory_space<hbm>> -> memref<50000xi32, #tpu.memory_space<hbm>>
    tpu.wait_dma2 semaphore(%arg26 : memref<!tpu.dma_semaphore, #tpu.memory_space<semaphore_mem>>) src(%dma_wait3A_153 : memref<50000xi32, #tpu.memory_space<hbm>>) dst(%dma_wait3A_152 : memref<50000xi32, #tpu.memory_space<vmem>>)
    %dma_wait3A_154 = arith.constant 50000 : i32
    %dma_wait3A_155 = tpu.memref_slice %arg8[%dma_wait3A_154] : memref<100000xi32, #tpu.memory_space<vmem>> -> memref<50000xi32, #tpu.memory_space<vmem>>
    %dma_wait3A_156 = tpu.memref_slice %arg7[%add3A_141] : memref<200000xi32, #tpu.memory_space<hbm>> -> memref<50000xi32, #tpu.memory_space<hbm>>
    %dma_wait3A_157 = arith.constant 50000 : i32
    %dma_wait3A_158 = tpu.memref_slice %arg8[%dma_wait3A_157] : memref<100000xi32, #tpu.memory_space<vmem>> -> memref<50000xi32, #tpu.memory_space<vmem>>
    %dma_wait3A_159 = tpu.memref_slice %arg7[%add3A_141] : memref<200000xi32, #tpu.memory_space<hbm>> -> memref<50000xi32, #tpu.memory_space<hbm>>
    tpu.wait_dma2 semaphore(%arg27 : memref<!tpu.dma_semaphore, #tpu.memory_space<semaphore_mem>>) src(%dma_wait3A_159 : memref<50000xi32, #tpu.memory_space<hbm>>) dst(%dma_wait3A_158 : memref<50000xi32, #tpu.memory_space<vmem>>)
    "tpu.trace_stop"() : () -> ()
    %scan3A_160 = arith.constant 0 : i32
    %scan3A_161 = arith.constant 0 : i32
    %scan3A_162 = arith.constant 8 : i32
    %scan3A_163 = arith.addi %scan3A_161, %scan3A_162 : i32
    %scan3A_164 = arith.constant 1 : i32
    scf.for %scan3A_178 = %scan3A_161 to %scan3A_163 step %scan3A_164  : i32 {
      %mul3A_179 = arith.constant 2 : i32
      %mul3A_180 = arith.muli %scan3A_178, %mul3A_179 : i32
      %add3A_181 = arith.constant 0 : i32
      %add3A_182 = arith.addi %mul3A_180, %add3A_181 : i32
      %mul3A_183 = arith.constant 1600 : i32
      %mul3A_184 = arith.muli %add3A_182, %mul3A_183 : i32
      %add3A_185 = arith.addi %mul3A_2, %mul3A_184 : i32
      %ge3A = arith.constant 1 : i32
      %ge3A_186 = arith.cmpi sge, %scan3A_178, %ge3A : i32
      %convert_element_type3A = arith.extui %ge3A_186 : i1 to i32
      %cond3A = arith.constant 0 : i32
      %cond3A_187 = arith.cmpi ne, %convert_element_type3A, %cond3A : i32
      scf.if %cond3A_187 {
        %sub3A = arith.constant 2 : i32
        %sub3A_280 = arith.subi %add3A_182, %sub3A : i32
        %mul3A_281 = arith.constant 32 : i32
        %mul3A_282 = arith.muli %sub3A_280, %mul3A_281 : i32
        %add3A_283 = arith.addi %mul3A_4, %mul3A_282 : i32
        %dma_wait3A_284 = arith.constant 0 : i32
        %dma_wait3A_285 = tpu.memref_slice %arg6[%add3A_283, %dma_wait3A_284] : memref<16384x64xi32, #tpu.memory_space<hbm>> -> memref<32x64xi32, #tpu.memory_space<hbm>>
        %dma_wait3A_286 = arith.constant 0 : i32
        %dma_wait3A_287 = tpu.memref_slice %arg6[%add3A_283, %dma_wait3A_286] : memref<16384x64xi32, #tpu.memory_space<hbm>> -> memref<32x64xi32, #tpu.memory_space<hbm>>
        tpu.wait_dma2 semaphore(%arg24 : memref<!tpu.dma_semaphore, #tpu.memory_space<semaphore_mem>>) src(%arg14 : memref<32x64xi32, #tpu.memory_space<vmem>>) dst(%dma_wait3A_287 : memref<32x64xi32, #tpu.memory_space<hbm>>)
      } else {
      }
      %dma_wait3A_188 = tpu.memref_slice %arg4[%add3A_185] : memref<819200xi32, #tpu.memory_space<hbm>> -> memref<1600xi32, #tpu.memory_space<hbm>>
      %dma_wait3A_189 = tpu.memref_slice %arg4[%add3A_185] : memref<819200xi32, #tpu.memory_space<hbm>> -> memref<1600xi32, #tpu.memory_space<hbm>>
      tpu.wait_dma2 semaphore(%arg19 : memref<!tpu.dma_semaphore, #tpu.memory_space<semaphore_mem>>) src(%dma_wait3A_189 : memref<1600xi32, #tpu.memory_space<hbm>>) dst(%arg10 : memref<1600xi32, #tpu.memory_space<vmem>>)
      %dma_wait3A_190 = tpu.memref_slice %arg5[%add3A_185] : memref<819200xf32, #tpu.memory_space<hbm>> -> memref<1600xf32, #tpu.memory_space<hbm>>
      %dma_wait3A_191 = tpu.memref_slice %arg5[%add3A_185] : memref<819200xf32, #tpu.memory_space<hbm>> -> memref<1600xf32, #tpu.memory_space<hbm>>
      tpu.wait_dma2 semaphore(%arg21 : memref<!tpu.dma_semaphore, #tpu.memory_space<semaphore_mem>>) src(%dma_wait3A_191 : memref<1600xf32, #tpu.memory_space<hbm>>) dst(%arg12 : memref<1600xf32, #tpu.memory_space<vmem>>)
      %broadcast_in_dim3A = arith.constant 0 : i32
      "tpu.trace_start"() <{level = 10 : i32, message = "sel"}> : () -> ()
      %broadcast_in_dim3A_192 = vector.broadcast %broadcast_in_dim3A : i32 to vector<16xi32>
      %iota3A = tpu.iota {dimensions = array<i32: 0>} : vector<16xi32>
      %broadcast_in_dim3A_193 = arith.constant 0 : i32
      %broadcast_in_dim3A_194 = vector.broadcast %broadcast_in_dim3A_193 : i32 to vector<16xi32>
      %broadcast_in_dim3A_195 = arith.constant 1600 : i32
      %broadcast_in_dim3A_196 = vector.broadcast %broadcast_in_dim3A_195 : i32 to vector<16xi32>
      %broadcast_in_dim3A_197 = arith.constant 0 : i32
      %broadcast_in_dim3A_198 = vector.broadcast %broadcast_in_dim3A_197 : i32 to vector<16xi32>
      %parallel_loop3A_199 = arith.constant 0 : i32
      %parallel_loop3A_200 = arith.constant 100 : i32
      %parallel_loop3A_201 = arith.constant 1 : i32
      %parallel_loop3A_202:5 = scf.for %parallel_loop3A_280 = %parallel_loop3A_199 to %parallel_loop3A_200 step %parallel_loop3A_201 iter_args(%parallel_loop3A_281 = %broadcast_in_dim3A_192, %parallel_loop3A_282 = %iota3A, %parallel_loop3A_283 = %broadcast_in_dim3A_194, %parallel_loop3A_284 = %broadcast_in_dim3A_196, %parallel_loop3A_285 = %broadcast_in_dim3A_198) -> (vector<16xi32>, vector<16xi32>, vector<16xi32>, vector<16xi32>, vector<16xi32>)  : i32 {
        %parallel_loop3A_286 = arith.constant 16 : i32
        %parallel_loop3A_287 = arith.muli %parallel_loop3A_280, %parallel_loop3A_286 : i32
        %parallel_loop3A_288 = arith.index_cast %parallel_loop3A_287 : i32 to index
        %parallel_loop3A_289 = tpu.vector_load %arg10[%parallel_loop3A_288] {strides = array<i32>} : memref<1600xi32, #tpu.memory_space<vmem>>, vector<16xi32>,
        %parallel_loop3A_290 = tpu.vector_load_idx %arg8[%parallel_loop3A_289] : memref<100000xi32, #tpu.memory_space<vmem>>[vector<16xi32>], vector<16xi32>,
        %parallel_loop3A_291 = vector.bitcast %parallel_loop3A_290 : vector<16xi32> to vector<16xi32>
        %parallel_loop3A_292 = arith.index_cast %parallel_loop3A_287 : i32 to index
        %parallel_loop3A_293 = tpu.vector_load %arg12[%parallel_loop3A_292] {strides = array<i32>} : memref<1600xf32, #tpu.memory_space<vmem>>, vector<16xf32>,
        %parallel_loop3A_294 = arith.constant 3.276800e+04 : f32
        %parallel_loop3A_295 = vector.broadcast %parallel_loop3A_294 : f32 to vector<16xf32>
        %parallel_loop3A_296 = arith.mulf %parallel_loop3A_293, %parallel_loop3A_295 : vector<16xf32>
        %parallel_loop3A_297 = arith.fptosi %parallel_loop3A_296 : vector<16xf32> to vector<16xi32>
        %parallel_loop3A_298 = arith.constant 17 : i32
        %parallel_loop3A_299 = vector.broadcast %parallel_loop3A_298 : i32 to vector<16xi32>
        %parallel_loop3A_300 = arith.shrui %parallel_loop3A_291, %parallel_loop3A_299 : vector<16xi32>
        %parallel_loop3A_301 = arith.constant 131071 : i32
        %parallel_loop3A_302 = vector.broadcast %parallel_loop3A_301 : i32 to vector<16xi32>
        %parallel_loop3A_303 = arith.andi %parallel_loop3A_291, %parallel_loop3A_302 : vector<16xi32>
        %parallel_loop3A_304 = arith.cmpi slt, %parallel_loop3A_297, %parallel_loop3A_300 : vector<16xi32>
        %parallel_loop3A_305 = arith.select %parallel_loop3A_304, %parallel_loop3A_289, %parallel_loop3A_303 : vector<16xi1>, vector<16xi32>
        tpu.vector_store_idx %arg14[%parallel_loop3A_281, %parallel_loop3A_282], %parallel_loop3A_305 : memref<32x64xi32, #tpu.memory_space<vmem>>[vector<16xi32>, vector<16xi32>], vector<16xi32>,
        %parallel_loop3A_306 = arith.subi %parallel_loop3A_297, %parallel_loop3A_300 : vector<16xi32>
        %parallel_loop3A_307 = arith.constant 1 : i32
        %parallel_loop3A_308 = vector.broadcast %parallel_loop3A_307 : i32 to vector<16xi32>
        %parallel_loop3A_309 = arith.addi %parallel_loop3A_306, %parallel_loop3A_308 : vector<16xi32>
        %parallel_loop3A_310 = vector.bitcast %parallel_loop3A_309 : vector<16xi32> to vector<16xi32>
        %parallel_loop3A_311 = arith.constant 1 : i32
        %parallel_loop3A_312 = vector.broadcast %parallel_loop3A_311 : i32 to vector<16xi32>
        %parallel_loop3A_313 = arith.cmpi ule, %parallel_loop3A_310, %parallel_loop3A_312 : vector<16xi32>
        %parallel_loop3A_314 = tpu.all_reduce %parallel_loop3A_313 {dim = 0 : i64, kind = #tpu.reduction_kind<sum>} : vector<16xi1> -> vector<16xi32>
        %parallel_loop3A_315 = arith.addi %parallel_loop3A_283, %parallel_loop3A_314 : vector<16xi32>
        %parallel_loop3A_316 = arith.constant 0 : i32
        %parallel_loop3A_317 = vector.broadcast %parallel_loop3A_316 : i32 to vector<16xi32>
        %parallel_loop3A_318 = arith.cmpi sgt, %parallel_loop3A_314, %parallel_loop3A_317 : vector<16xi32>
        %parallel_loop3A_319 = arith.constant 1600 : i32
        %parallel_loop3A_320 = vector.broadcast %parallel_loop3A_280 : i32 to vector<16xi32>
        %parallel_loop3A_321 = vector.broadcast %parallel_loop3A_319 : i32 to vector<16xi32>
        %parallel_loop3A_322 = arith.select %parallel_loop3A_318, %parallel_loop3A_320, %parallel_loop3A_321 : vector<16xi1>, vector<16xi32>
        %parallel_loop3A_323 = arith.minsi %parallel_loop3A_284, %parallel_loop3A_322 : vector<16xi32>
        %parallel_loop3A_324 = arith.constant 0 : i32
        %parallel_loop3A_325 = vector.broadcast %parallel_loop3A_324 : i32 to vector<16xi32>
        %parallel_loop3A_326 = arith.cmpi sgt, %parallel_loop3A_314, %parallel_loop3A_325 : vector<16xi32>
        %parallel_loop3A_327 = arith.constant 1 : i32
        %parallel_loop3A_328 = arith.addi %parallel_loop3A_280, %parallel_loop3A_327 : i32
        %parallel_loop3A_329 = arith.constant 0 : i32
        %parallel_loop3A_330 = vector.broadcast %parallel_loop3A_328 : i32 to vector<16xi32>
        %parallel_loop3A_331 = vector.broadcast %parallel_loop3A_329 : i32 to vector<16xi32>
        %parallel_loop3A_332 = arith.select %parallel_loop3A_326, %parallel_loop3A_330, %parallel_loop3A_331 : vector<16xi1>, vector<16xi32>
        %parallel_loop3A_333 = arith.maxsi %parallel_loop3A_285, %parallel_loop3A_332 : vector<16xi32>
        %parallel_loop3A_334 = arith.constant 16 : i32
        %parallel_loop3A_335 = vector.broadcast %parallel_loop3A_334 : i32 to vector<16xi32>
        %parallel_loop3A_336 = arith.addi %parallel_loop3A_282, %parallel_loop3A_335 : vector<16xi32>
        %parallel_loop3A_337 = arith.constant 50 : i32
        %parallel_loop3A_338 = vector.broadcast %parallel_loop3A_337 : i32 to vector<16xi32>
        %parallel_loop3A_339 = arith.cmpi sge, %parallel_loop3A_336, %parallel_loop3A_338 : vector<16xi32>
        %parallel_loop3A_340 = arith.constant 50 : i32
        %parallel_loop3A_341 = vector.broadcast %parallel_loop3A_340 : i32 to vector<16xi32>
        %parallel_loop3A_342 = arith.subi %parallel_loop3A_336, %parallel_loop3A_341 : vector<16xi32>
        %parallel_loop3A_343 = arith.select %parallel_loop3A_339, %parallel_loop3A_342, %parallel_loop3A_336 : vector<16xi1>, vector<16xi32>
        %parallel_loop3A_344 = arith.extui %parallel_loop3A_339 : vector<16xi1> to vector<16xi32>
        %parallel_loop3A_345 = arith.addi %parallel_loop3A_281, %parallel_loop3A_344 : vector<16xi32>
        scf.yield %parallel_loop3A_345, %parallel_loop3A_343, %parallel_loop3A_315, %parallel_loop3A_323, %parallel_loop3A_333 : vector<16xi32>, vector<16xi32>, vector<16xi32>, vector<16xi32>, vector<16xi32>
      } {sc.loop_unroll_factor = 4 : i64, sc.parallel_access}
      %reduce_max3A = arith.constant true
      %reduce_max3A_203 = vector.broadcast %reduce_max3A : i1 to vector<16xi1>
      %reduce_max3A_204 = arith.constant -2147483648 : i32
      %reduce_max3A_205 = vector.broadcast %reduce_max3A_204 : i32 to vector<16xi32>
      %reduce_max3A_206 = arith.xori %parallel_loop3A_202#2, %reduce_max3A_205 : vector<16xi32>
      %reduce_max3A_207 = tpu.scan <max>, %reduce_max3A_206 masked %reduce_max3A_203 : vector<16xi32>, vector<16xi1> -> vector<16xi32>
      %reduce_max3A_208 = arith.xori %reduce_max3A_207, %reduce_max3A_205 : vector<16xi32>
      %reduce_max3A_209 = vector.extract %reduce_max3A_208[15] : i32 from vector<16xi32>
      %gt3A = arith.constant 0 : i32
      "tpu.trace_stop"() : () -> ()
      %gt3A_210 = arith.cmpi sgt, %reduce_max3A_209, %gt3A : i32
      %convert_element_type3A_211 = arith.extui %gt3A_210 : i1 to i32
      %cond3A_212 = arith.constant 0 : i32
      %cond3A_213 = arith.cmpi ne, %convert_element_type3A_211, %cond3A_212 : i32
      scf.if %cond3A_213 {
        "tpu.trace_start"() <{level = 10 : i32, message = "fix"}> : () -> ()
        %reduce_max3A_280 = arith.constant true
        %reduce_max3A_281 = vector.broadcast %reduce_max3A_280 : i1 to vector<16xi1>
        %reduce_max3A_282 = arith.constant -2147483648 : i32
        %reduce_max3A_283 = vector.broadcast %reduce_max3A_282 : i32 to vector<16xi32>
        %reduce_max3A_284 = arith.xori %parallel_loop3A_202#3, %reduce_max3A_283 : vector<16xi32>
        %reduce_max3A_285 = tpu.scan <max>, %reduce_max3A_284 masked %reduce_max3A_281 : vector<16xi32>, vector<16xi1> -> vector<16xi32>
        %reduce_max3A_286 = arith.xori %reduce_max3A_285, %reduce_max3A_283 : vector<16xi32>
        %reduce_max3A_287 = vector.extract %reduce_max3A_286[15] : i32 from vector<16xi32>
        %reduce_max3A_288 = arith.constant true
        %reduce_max3A_289 = vector.broadcast %reduce_max3A_288 : i1 to vector<16xi1>
        %reduce_max3A_290 = arith.constant -2147483648 : i32
        %reduce_max3A_291 = vector.broadcast %reduce_max3A_290 : i32 to vector<16xi32>
        %reduce_max3A_292 = arith.xori %parallel_loop3A_202#4, %reduce_max3A_291 : vector<16xi32>
        %reduce_max3A_293 = tpu.scan <max>, %reduce_max3A_292 masked %reduce_max3A_289 : vector<16xi32>, vector<16xi1> -> vector<16xi32>
        %reduce_max3A_294 = arith.xori %reduce_max3A_293, %reduce_max3A_291 : vector<16xi32>
        %reduce_max3A_295 = vector.extract %reduce_max3A_294[15] : i32 from vector<16xi32>
        %while3A = arith.constant 0 : i32
        %while3A_296 = arith.subi %reduce_max3A_295, %reduce_max3A_287 : i32
        %while3A_297 = arith.addi %reduce_max3A_287, %while3A_296 : i32
        %while3A_298 = arith.constant 1 : i32
        %while3A_299 = arith.divsi %while3A_296, %while3A_298 : i32
        %while3A_300 = arith.muli %while3A_299, %while3A_298 : i32
        %while3A_301 = arith.addi %reduce_max3A_287, %while3A_300 : i32
        %while3A_302 = arith.constant 1 : i32
        %while3A_303 = scf.for %while3A_323 = %reduce_max3A_287 to %while3A_301 step %while3A_302 iter_args(%while3A_324 = %while3A) -> (i32)  : i32 {
          %mul3A_325 = arith.constant 16 : i32
          %mul3A_326 = arith.muli %while3A_323, %mul3A_325 : i32
          %get3A = arith.index_cast %mul3A_326 : i32 to index
          %get3A_327 = tpu.vector_load %arg10[%get3A] {strides = array<i32>} : memref<1600xi32, #tpu.memory_space<vmem>>, vector<16xi32>,
          %gather3A = tpu.vector_load_idx %arg8[%get3A_327] : memref<100000xi32, #tpu.memory_space<vmem>>[vector<16xi32>], vector<16xi32>,
          %bitcast3A = vector.bitcast %gather3A : vector<16xi32> to vector<16xi32>
          %get3A_328 = arith.index_cast %mul3A_326 : i32 to index
          %get3A_329 = tpu.vector_load %arg12[%get3A_328] {strides = array<i32>} : memref<1600xf32, #tpu.memory_space<vmem>>, vector<16xf32>,
          %mul3A_330 = arith.constant 3.276800e+04 : f32
          %mul3A_331 = vector.broadcast %mul3A_330 : f32 to vector<16xf32>
          %mul3A_332 = arith.mulf %get3A_329, %mul3A_331 : vector<16xf32>
          %convert_element_type3A_333 = arith.fptosi %mul3A_332 : vector<16xf32> to vector<16xi32>
          %shift_right_logical3A = arith.constant 17 : i32
          %shift_right_logical3A_334 = vector.broadcast %shift_right_logical3A : i32 to vector<16xi32>
          %shift_right_logical3A_335 = arith.shrui %bitcast3A, %shift_right_logical3A_334 : vector<16xi32>
          %and3A = arith.constant 131071 : i32
          %and3A_336 = vector.broadcast %and3A : i32 to vector<16xi32>
          %and3A_337 = arith.andi %bitcast3A, %and3A_336 : vector<16xi32>
          %sub3A = arith.subi %convert_element_type3A_333, %shift_right_logical3A_335 : vector<16xi32>
          %add3A_338 = arith.constant 1 : i32
          %add3A_339 = vector.broadcast %add3A_338 : i32 to vector<16xi32>
          %add3A_340 = arith.addi %sub3A, %add3A_339 : vector<16xi32>
          %bitcast3A_341 = vector.bitcast %add3A_340 : vector<16xi32> to vector<16xi32>
          %le3A = arith.constant 1 : i32
          %le3A_342 = vector.broadcast %le3A : i32 to vector<16xi32>
          %le3A_343 = arith.cmpi ule, %bitcast3A_341, %le3A_342 : vector<16xi32>
          %min3A_344 = arith.constant 112 : i32
          %min3A_345 = arith.minsi %while3A_324, %min3A_344 : i32
          %mul3A_346 = arith.constant 16 : i32
          %mul3A_347 = arith.muli %while3A_323, %mul3A_346 : i32
          %iota3A_348 = tpu.iota {dimensions = array<i32: 0>} : vector<16xi32>
          %add3A_349 = vector.broadcast %mul3A_347 : i32 to vector<16xi32>
          %add3A_350 = arith.addi %add3A_349, %iota3A_348 : vector<16xi32>
          %swap3A = arith.index_cast %min3A_345 : i32 to index
          %swap3A_351 = tpu.vector_load %arg16[%swap3A] masked %le3A_343 {strides = array<i32>} : memref<128xi32, #tpu.memory_space<vmem>>, vector<16xi32>, vector<16xi1>
          tpu.vector_store %arg16[%swap3A], %add3A_350 masked %le3A_343 {strides = array<i32>} : memref<128xi32, #tpu.memory_space<vmem>>, vector<16xi32>, vector<16xi1>
          %all_reduce_population_count3A = tpu.all_reduce %le3A_343 {dim = 0 : i64, kind = #tpu.reduction_kind<sum>} : vector<16xi1> -> vector<16xi32>
          %reduce_max3A_352 = arith.constant true
          %reduce_max3A_353 = vector.broadcast %reduce_max3A_352 : i1 to vector<16xi1>
          %reduce_max3A_354 = arith.constant -2147483648 : i32
          %reduce_max3A_355 = vector.broadcast %reduce_max3A_354 : i32 to vector<16xi32>
          %reduce_max3A_356 = arith.xori %all_reduce_population_count3A, %reduce_max3A_355 : vector<16xi32>
          %reduce_max3A_357 = tpu.scan <max>, %reduce_max3A_356 masked %reduce_max3A_353 : vector<16xi32>, vector<16xi1> -> vector<16xi32>
          %reduce_max3A_358 = arith.xori %reduce_max3A_357, %reduce_max3A_355 : vector<16xi32>
          %reduce_max3A_359 = vector.extract %reduce_max3A_358[15] : i32 from vector<16xi32>
          %add3A_360 = arith.addi %while3A_324, %reduce_max3A_359 : i32
          scf.yield %add3A_360 : i32
        }
        %while3A_304 = arith.constant 1 : i32
        %while3A_305 = scf.for %while3A_323 = %while3A_301 to %while3A_297 step %while3A_304 iter_args(%while3A_324 = %while3A_303) -> (i32)  : i32 {
          %mul3A_325 = arith.constant 16 : i32
          %mul3A_326 = arith.muli %while3A_323, %mul3A_325 : i32
          %get3A = arith.index_cast %mul3A_326 : i32 to index
          %get3A_327 = tpu.vector_load %arg10[%get3A] {strides = array<i32>} : memref<1600xi32, #tpu.memory_space<vmem>>, vector<16xi32>,
          %gather3A = tpu.vector_load_idx %arg8[%get3A_327] : memref<100000xi32, #tpu.memory_space<vmem>>[vector<16xi32>], vector<16xi32>,
          %bitcast3A = vector.bitcast %gather3A : vector<16xi32> to vector<16xi32>
          %get3A_328 = arith.index_cast %mul3A_326 : i32 to index
          %get3A_329 = tpu.vector_load %arg12[%get3A_328] {strides = array<i32>} : memref<1600xf32, #tpu.memory_space<vmem>>, vector<16xf32>,
          %mul3A_330 = arith.constant 3.276800e+04 : f32
          %mul3A_331 = vector.broadcast %mul3A_330 : f32 to vector<16xf32>
          %mul3A_332 = arith.mulf %get3A_329, %mul3A_331 : vector<16xf32>
          %convert_element_type3A_333 = arith.fptosi %mul3A_332 : vector<16xf32> to vector<16xi32>
          %shift_right_logical3A = arith.constant 17 : i32
          %shift_right_logical3A_334 = vector.broadcast %shift_right_logical3A : i32 to vector<16xi32>
          %shift_right_logical3A_335 = arith.shrui %bitcast3A, %shift_right_logical3A_334 : vector<16xi32>
          %and3A = arith.constant 131071 : i32
          %and3A_336 = vector.broadcast %and3A : i32 to vector<16xi32>
          %and3A_337 = arith.andi %bitcast3A, %and3A_336 : vector<16xi32>
          %sub3A = arith.subi %convert_element_type3A_333, %shift_right_logical3A_335 : vector<16xi32>
          %add3A_338 = arith.constant 1 : i32
          %add3A_339 = vector.broadcast %add3A_338 : i32 to vector<16xi32>
          %add3A_340 = arith.addi %sub3A, %add3A_339 : vector<16xi32>
          %bitcast3A_341 = vector.bitcast %add3A_340 : vector<16xi32> to vector<16xi32>
          %le3A = arith.constant 1 : i32
          %le3A_342 = vector.broadcast %le3A : i32 to vector<16xi32>
          %le3A_343 = arith.cmpi ule, %bitcast3A_341, %le3A_342 : vector<16xi32>
          %min3A_344 = arith.constant 112 : i32
          %min3A_345 = arith.minsi %while3A_324, %min3A_344 : i32
          %mul3A_346 = arith.constant 16 : i32
          %mul3A_347 = arith.muli %while3A_323, %mul3A_346 : i32
          %iota3A_348 = tpu.iota {dimensions = array<i32: 0>} : vector<16xi32>
          %add3A_349 = vector.broadcast %mul3A_347 : i32 to vector<16xi32>
          %add3A_350 = arith.addi %add3A_349, %iota3A_348 : vector<16xi32>
          %swap3A = arith.index_cast %min3A_345 : i32 to index
          %swap3A_351 = tpu.vector_load %arg16[%swap3A] masked %le3A_343 {strides = array<i32>} : memref<128xi32, #tpu.memory_space<vmem>>, vector<16xi32>, vector<16xi1>
          tpu.vector_store %arg16[%swap3A], %add3A_350 masked %le3A_343 {strides = array<i32>} : memref<128xi32, #tpu.memory_space<vmem>>, vector<16xi32>, vector<16xi1>
          %all_reduce_population_count3A = tpu.all_reduce %le3A_343 {dim = 0 : i64, kind = #tpu.reduction_kind<sum>} : vector<16xi1> -> vector<16xi32>
          %reduce_max3A_352 = arith.constant true
          %reduce_max3A_353 = vector.broadcast %reduce_max3A_352 : i1 to vector<16xi1>
          %reduce_max3A_354 = arith.constant -2147483648 : i32
          %reduce_max3A_355 = vector.broadcast %reduce_max3A_354 : i32 to vector<16xi32>
          %reduce_max3A_356 = arith.xori %all_reduce_population_count3A, %reduce_max3A_355 : vector<16xi32>
          %reduce_max3A_357 = tpu.scan <max>, %reduce_max3A_356 masked %reduce_max3A_353 : vector<16xi32>, vector<16xi1> -> vector<16xi32>
          %reduce_max3A_358 = arith.xori %reduce_max3A_357, %reduce_max3A_355 : vector<16xi32>
          %reduce_max3A_359 = vector.extract %reduce_max3A_358[15] : i32 from vector<16xi32>
          %add3A_360 = arith.addi %while3A_324, %reduce_max3A_359 : i32
          scf.yield %add3A_360 : i32
        }
        %min3A = arith.constant 112 : i32
        %min3A_306 = arith.minsi %while3A_305, %min3A : i32
        %scan3A_307 = arith.constant 0 : i32
        %scan3A_308 = arith.constant 0 : i32
        %scan3A_309 = arith.constant 8 : i32
        %scan3A_310 = arith.addi %scan3A_308, %scan3A_309 : i32
        %scan3A_311 = arith.constant 1 : i32
        scf.for %scan3A_323 = %scan3A_308 to %scan3A_310 step %scan3A_311  : i32 {
          %mul3A_324 = arith.constant 16 : i32
          %mul3A_325 = arith.muli %scan3A_323, %mul3A_324 : i32
          %get3A = arith.index_cast %mul3A_325 : i32 to index
          %get3A_326 = tpu.vector_load %arg16[%get3A] {strides = array<i32>} : memref<128xi32, #tpu.memory_space<vmem>>, vector<16xi32>,
          %gather3A = tpu.vector_load_idx %arg10[%get3A_326] : memref<1600xi32, #tpu.memory_space<vmem>>[vector<16xi32>], vector<16xi32>,
          %swap3A = arith.index_cast %mul3A_325 : i32 to index
          %swap3A_327 = tpu.vector_load %arg17[%swap3A] {strides = array<i32>} : memref<128xi32, #tpu.memory_space<vmem>>, vector<16xi32>,
          tpu.vector_store %arg17[%swap3A], %gather3A {strides = array<i32>} : memref<128xi32, #tpu.memory_space<vmem>>, vector<16xi32>,
        }
        %scan3A_312 = arith.constant 8 : i32
        %dma_start3A_313 = arith.constant 0 : i32
        %dma_start3A_314 = tpu.memref_slice %arg9[%dma_start3A_313] : memref<100000xf32, #tpu.memory_space<vmem_shared>> -> memref<100000xf32, #tpu.memory_space<vmem_shared>>
        tpu.enqueue_indirect_dma source(%dma_start3A_314 : memref<100000xf32, #tpu.memory_space<vmem_shared>>) target(%arg18 : memref<128xf32, #tpu.memory_space<vmem>>) offsets(%arg17 : memref<128xi32, #tpu.memory_space<vmem>>) semaphore(%arg23 : memref<!tpu.dma_semaphore, #tpu.memory_space<semaphore_mem>>)
        %dma_wait3A_315 = arith.constant 0 : i32
        %dma_wait3A_316 = tpu.memref_slice %arg9[%dma_wait3A_315] : memref<100000xf32, #tpu.memory_space<vmem_shared>> -> memref<100000xf32, #tpu.memory_space<vmem_shared>>
        tpu.wait_indirect_dma semaphore(%arg23 : memref<!tpu.dma_semaphore, #tpu.memory_space<semaphore_mem>>) src(%dma_wait3A_316 : memref<100000xf32, #tpu.memory_space<vmem_shared>>) dst(%arg18 : memref<128xf32, #tpu.memory_space<vmem>>)
        %scan3A_317 = arith.constant 0 : i32
        %scan3A_318 = arith.constant 0 : i32
        %scan3A_319 = arith.constant 8 : i32
        %scan3A_320 = arith.addi %scan3A_318, %scan3A_319 : i32
        %scan3A_321 = arith.constant 1 : i32
        scf.for %scan3A_323 = %scan3A_318 to %scan3A_320 step %scan3A_321  : i32 {
          %mul3A_324 = arith.constant 16 : i32
          %mul3A_325 = arith.muli %scan3A_323, %mul3A_324 : i32
          %get3A = arith.index_cast %mul3A_325 : i32 to index
          %get3A_326 = tpu.vector_load %arg16[%get3A] {strides = array<i32>} : memref<128xi32, #tpu.memory_space<vmem>>, vector<16xi32>,
          %get3A_327 = arith.index_cast %mul3A_325 : i32 to index
          %get3A_328 = tpu.vector_load %arg17[%get3A_327] {strides = array<i32>} : memref<128xi32, #tpu.memory_space<vmem>>, vector<16xi32>,
          %gather3A = tpu.vector_load_idx %arg12[%get3A_326] : memref<1600xf32, #tpu.memory_space<vmem>>[vector<16xi32>], vector<16xf32>,
          %get3A_329 = arith.index_cast %mul3A_325 : i32 to index
          %get3A_330 = tpu.vector_load %arg18[%get3A_329] {strides = array<i32>} : memref<128xf32, #tpu.memory_space<vmem>>, vector<16xf32>,
          %lt3A_331 = arith.cmpf olt, %gather3A, %get3A_330 : vector<16xf32>
          %gather3A_332 = tpu.vector_load_idx %arg8[%get3A_328] : memref<100000xi32, #tpu.memory_space<vmem>>[vector<16xi32>], vector<16xi32>,
          %bitcast3A = vector.bitcast %gather3A_332 : vector<16xi32> to vector<16xi32>
          %shift_right_logical3A = arith.constant 17 : i32
          %shift_right_logical3A_333 = vector.broadcast %shift_right_logical3A : i32 to vector<16xi32>
          %shift_right_logical3A_334 = arith.shrui %bitcast3A, %shift_right_logical3A_333 : vector<16xi32>
          %and3A = arith.constant 131071 : i32
          %and3A_335 = vector.broadcast %and3A : i32 to vector<16xi32>
          %and3A_336 = arith.andi %bitcast3A, %and3A_335 : vector<16xi32>
          %select_n3A_337 = arith.select %lt3A_331, %get3A_328, %and3A_336 : vector<16xi1>, vector<16xi32>
          %mul3A_338 = arith.constant 5243 : i32
          %mul3A_339 = vector.broadcast %mul3A_338 : i32 to vector<16xi32>
          %mul3A_340 = arith.muli %get3A_326, %mul3A_339 : vector<16xi32>
          %shift_right_arithmetic3A = arith.constant 18 : i32
          %shift_right_arithmetic3A_341 = vector.broadcast %shift_right_arithmetic3A : i32 to vector<16xi32>
          %shift_right_arithmetic3A_342 = arith.shrsi %mul3A_340, %shift_right_arithmetic3A_341 : vector<16xi32>
          %mul3A_343 = arith.constant 50 : i32
          %mul3A_344 = vector.broadcast %mul3A_343 : i32 to vector<16xi32>
          %mul3A_345 = arith.muli %shift_right_arithmetic3A_342, %mul3A_344 : vector<16xi32>
          %sub3A = arith.subi %get3A_326, %mul3A_345 : vector<16xi32>
          %mul3A_346 = arith.constant 16 : i32
          %mul3A_347 = arith.muli %scan3A_323, %mul3A_346 : i32
          %iota3A_348 = tpu.iota {dimensions = array<i32: 0>} : vector<16xi32>
          %add3A_349 = vector.broadcast %mul3A_347 : i32 to vector<16xi32>
          %add3A_350 = arith.addi %add3A_349, %iota3A_348 : vector<16xi32>
          %lt3A_351 = vector.broadcast %min3A_306 : i32 to vector<16xi32>
          %lt3A_352 = arith.cmpi slt, %add3A_350, %lt3A_351 : vector<16xi32>
          tpu.vector_store_idx %arg14[%shift_right_arithmetic3A_342, %sub3A], %select_n3A_337 masked %lt3A_352 : memref<32x64xi32, #tpu.memory_space<vmem>>[vector<16xi32>, vector<16xi32>], vector<16xi32>, vector<16xi1>
        }
        %scan3A_322 = arith.constant 8 : i32
        "tpu.trace_stop"() : () -> ()
      } else {
      }
      %mul3A_214 = arith.constant 32 : i32
      %mul3A_215 = arith.muli %add3A_182, %mul3A_214 : i32
      %add3A_216 = arith.addi %mul3A_4, %mul3A_215 : i32
      %dma_start3A_217 = arith.constant 0 : i32
      %dma_start3A_218 = tpu.memref_slice %arg6[%add3A_216, %dma_start3A_217] : memref<16384x64xi32, #tpu.memory_space<hbm>> -> memref<32x64xi32, #tpu.memory_space<hbm>>
      %dma_start3A_219 = arith.constant 0 : i32
      %dma_start3A_220 = tpu.memref_slice %arg6[%add3A_216, %dma_start3A_219] : memref<16384x64xi32, #tpu.memory_space<hbm>> -> memref<32x64xi32, #tpu.memory_space<hbm>>
      tpu.enqueue_dma source(%arg14 : memref<32x64xi32, #tpu.memory_space<vmem>>) target(%dma_start3A_220 : memref<32x64xi32, #tpu.memory_space<hbm>>) target_semaphore(%arg24 : memref<!tpu.dma_semaphore, #tpu.memory_space<semaphore_mem>>)
      %lt3A_221 = arith.constant 7 : i32
      %lt3A_222 = arith.cmpi slt, %scan3A_178, %lt3A_221 : i32
      %convert_element_type3A_223 = arith.extui %lt3A_222 : i1 to i32
      %cond3A_224 = arith.constant 0 : i32
      %cond3A_225 = arith.cmpi ne, %convert_element_type3A_223, %cond3A_224 : i32
      scf.if %cond3A_225 {
        %add3A_280 = arith.constant 2 : i32
        %add3A_281 = arith.addi %add3A_182, %add3A_280 : i32
        %mul3A_282 = arith.constant 1600 : i32
        %mul3A_283 = arith.muli %add3A_281, %mul3A_282 : i32
        %add3A_284 = arith.addi %mul3A_2, %mul3A_283 : i32
        %dma_start3A_285 = tpu.memref_slice %arg4[%add3A_284] : memref<819200xi32, #tpu.memory_space<hbm>> -> memref<1600xi32, #tpu.memory_space<hbm>>
        %dma_start3A_286 = tpu.memref_slice %arg4[%add3A_284] : memref<819200xi32, #tpu.memory_space<hbm>> -> memref<1600xi32, #tpu.memory_space<hbm>>
        tpu.enqueue_dma source(%dma_start3A_286 : memref<1600xi32, #tpu.memory_space<hbm>>) target(%arg10 : memref<1600xi32, #tpu.memory_space<vmem>>) target_semaphore(%arg19 : memref<!tpu.dma_semaphore, #tpu.memory_space<semaphore_mem>>)
        %dma_start3A_287 = tpu.memref_slice %arg5[%add3A_284] : memref<819200xf32, #tpu.memory_space<hbm>> -> memref<1600xf32, #tpu.memory_space<hbm>>
        %dma_start3A_288 = tpu.memref_slice %arg5[%add3A_284] : memref<819200xf32, #tpu.memory_space<hbm>> -> memref<1600xf32, #tpu.memory_space<hbm>>
        tpu.enqueue_dma source(%dma_start3A_288 : memref<1600xf32, #tpu.memory_space<hbm>>) target(%arg12 : memref<1600xf32, #tpu.memory_space<vmem>>) target_semaphore(%arg21 : memref<!tpu.dma_semaphore, #tpu.memory_space<semaphore_mem>>)
      } else {
      }
      %mul3A_226 = arith.constant 2 : i32
      %mul3A_227 = arith.muli %scan3A_178, %mul3A_226 : i32
      %add3A_228 = arith.constant 1 : i32
      %add3A_229 = arith.addi %mul3A_227, %add3A_228 : i32
      %mul3A_230 = arith.constant 1600 : i32
      %mul3A_231 = arith.muli %add3A_229, %mul3A_230 : i32
      %add3A_232 = arith.addi %mul3A_2, %mul3A_231 : i32
      %ge3A_233 = arith.constant 1 : i32
      %ge3A_234 = arith.cmpi sge, %scan3A_178, %ge3A_233 : i32
      %convert_element_type3A_235 = arith.extui %ge3A_234 : i1 to i32
      %cond3A_236 = arith.constant 0 : i32
      %cond3A_237 = arith.cmpi ne, %convert_element_type3A_235, %cond3A_236 : i32
      scf.if %cond3A_237 {
        %sub3A = arith.constant 2 : i32
        %sub3A_280 = arith.subi %add3A_229, %sub3A : i32
        %mul3A_281 = arith.constant 32 : i32
        %mul3A_282 = arith.muli %sub3A_280, %mul3A_281 : i32
        %add3A_283 = arith.addi %mul3A_4, %mul3A_282 : i32
        %dma_wait3A_284 = arith.constant 0 : i32
        %dma_wait3A_285 = tpu.memref_slice %arg6[%add3A_283, %dma_wait3A_284] : memref<16384x64xi32, #tpu.memory_space<hbm>> -> memref<32x64xi32, #tpu.memory_space<hbm>>
        %dma_wait3A_286 = arith.constant 0 : i32
        %dma_wait3A_287 = tpu.memref_slice %arg6[%add3A_283, %dma_wait3A_286] : memref<16384x64xi32, #tpu.memory_space<hbm>> -> memref<32x64xi32, #tpu.memory_space<hbm>>
        tpu.wait_dma2 semaphore(%arg25 : memref<!tpu.dma_semaphore, #tpu.memory_space<semaphore_mem>>) src(%arg15 : memref<32x64xi32, #tpu.memory_space<vmem>>) dst(%dma_wait3A_287 : memref<32x64xi32, #tpu.memory_space<hbm>>)
      } else {
      }
      %dma_wait3A_238 = tpu.memref_slice %arg4[%add3A_232] : memref<819200xi32, #tpu.memory_space<hbm>> -> memref<1600xi32, #tpu.memory_space<hbm>>
      %dma_wait3A_239 = tpu.memref_slice %arg4[%add3A_232] : memref<819200xi32, #tpu.memory_space<hbm>> -> memref<1600xi32, #tpu.memory_space<hbm>>
      tpu.wait_dma2 semaphore(%arg20 : memref<!tpu.dma_semaphore, #tpu.memory_space<semaphore_mem>>) src(%dma_wait3A_239 : memref<1600xi32, #tpu.memory_space<hbm>>) dst(%arg11 : memref<1600xi32, #tpu.memory_space<vmem>>)
      %dma_wait3A_240 = tpu.memref_slice %arg5[%add3A_232] : memref<819200xf32, #tpu.memory_space<hbm>> -> memref<1600xf32, #tpu.memory_space<hbm>>
      %dma_wait3A_241 = tpu.memref_slice %arg5[%add3A_232] : memref<819200xf32, #tpu.memory_space<hbm>> -> memref<1600xf32, #tpu.memory_space<hbm>>
      tpu.wait_dma2 semaphore(%arg22 : memref<!tpu.dma_semaphore, #tpu.memory_space<semaphore_mem>>) src(%dma_wait3A_241 : memref<1600xf32, #tpu.memory_space<hbm>>) dst(%arg13 : memref<1600xf32, #tpu.memory_space<vmem>>)
      %broadcast_in_dim3A_242 = arith.constant 0 : i32
      "tpu.trace_start"() <{level = 10 : i32, message = "sel"}> : () -> ()
      %broadcast_in_dim3A_243 = vector.broadcast %broadcast_in_dim3A_242 : i32 to vector<16xi32>
      %iota3A_244 = tpu.iota {dimensions = array<i32: 0>} : vector<16xi32>
      %broadcast_in_dim3A_245 = arith.constant 0 : i32
      %broadcast_in_dim3A_246 = vector.broadcast %broadcast_in_dim3A_245 : i32 to vector<16xi32>
      %broadcast_in_dim3A_247 = arith.constant 1600 : i32
      %broadcast_in_dim3A_248 = vector.broadcast %broadcast_in_dim3A_247 : i32 to vector<16xi32>
      %broadcast_in_dim3A_249 = arith.constant 0 : i32
      %broadcast_in_dim3A_250 = vector.broadcast %broadcast_in_dim3A_249 : i32 to vector<16xi32>
      %parallel_loop3A_251 = arith.constant 0 : i32
      %parallel_loop3A_252 = arith.constant 100 : i32
      %parallel_loop3A_253 = arith.constant 1 : i32
      %parallel_loop3A_254:5 = scf.for %parallel_loop3A_280 = %parallel_loop3A_251 to %parallel_loop3A_252 step %parallel_loop3A_253 iter_args(%parallel_loop3A_281 = %broadcast_in_dim3A_243, %parallel_loop3A_282 = %iota3A_244, %parallel_loop3A_283 = %broadcast_in_dim3A_246, %parallel_loop3A_284 = %broadcast_in_dim3A_248, %parallel_loop3A_285 = %broadcast_in_dim3A_250) -> (vector<16xi32>, vector<16xi32>, vector<16xi32>, vector<16xi32>, vector<16xi32>)  : i32 {
        %parallel_loop3A_286 = arith.constant 16 : i32
        %parallel_loop3A_287 = arith.muli %parallel_loop3A_280, %parallel_loop3A_286 : i32
        %parallel_loop3A_288 = arith.index_cast %parallel_loop3A_287 : i32 to index
        %parallel_loop3A_289 = tpu.vector_load %arg11[%parallel_loop3A_288] {strides = array<i32>} : memref<1600xi32, #tpu.memory_space<vmem>>, vector<16xi32>,
        %parallel_loop3A_290 = tpu.vector_load_idx %arg8[%parallel_loop3A_289] : memref<100000xi32, #tpu.memory_space<vmem>>[vector<16xi32>], vector<16xi32>,
        %parallel_loop3A_291 = vector.bitcast %parallel_loop3A_290 : vector<16xi32> to vector<16xi32>
        %parallel_loop3A_292 = arith.index_cast %parallel_loop3A_287 : i32 to index
        %parallel_loop3A_293 = tpu.vector_load %arg13[%parallel_loop3A_292] {strides = array<i32>} : memref<1600xf32, #tpu.memory_space<vmem>>, vector<16xf32>,
        %parallel_loop3A_294 = arith.constant 3.276800e+04 : f32
        %parallel_loop3A_295 = vector.broadcast %parallel_loop3A_294 : f32 to vector<16xf32>
        %parallel_loop3A_296 = arith.mulf %parallel_loop3A_293, %parallel_loop3A_295 : vector<16xf32>
        %parallel_loop3A_297 = arith.fptosi %parallel_loop3A_296 : vector<16xf32> to vector<16xi32>
        %parallel_loop3A_298 = arith.constant 17 : i32
        %parallel_loop3A_299 = vector.broadcast %parallel_loop3A_298 : i32 to vector<16xi32>
        %parallel_loop3A_300 = arith.shrui %parallel_loop3A_291, %parallel_loop3A_299 : vector<16xi32>
        %parallel_loop3A_301 = arith.constant 131071 : i32
        %parallel_loop3A_302 = vector.broadcast %parallel_loop3A_301 : i32 to vector<16xi32>
        %parallel_loop3A_303 = arith.andi %parallel_loop3A_291, %parallel_loop3A_302 : vector<16xi32>
        %parallel_loop3A_304 = arith.cmpi slt, %parallel_loop3A_297, %parallel_loop3A_300 : vector<16xi32>
        %parallel_loop3A_305 = arith.select %parallel_loop3A_304, %parallel_loop3A_289, %parallel_loop3A_303 : vector<16xi1>, vector<16xi32>
        tpu.vector_store_idx %arg15[%parallel_loop3A_281, %parallel_loop3A_282], %parallel_loop3A_305 : memref<32x64xi32, #tpu.memory_space<vmem>>[vector<16xi32>, vector<16xi32>], vector<16xi32>,
        %parallel_loop3A_306 = arith.subi %parallel_loop3A_297, %parallel_loop3A_300 : vector<16xi32>
        %parallel_loop3A_307 = arith.constant 1 : i32
        %parallel_loop3A_308 = vector.broadcast %parallel_loop3A_307 : i32 to vector<16xi32>
        %parallel_loop3A_309 = arith.addi %parallel_loop3A_306, %parallel_loop3A_308 : vector<16xi32>
        %parallel_loop3A_310 = vector.bitcast %parallel_loop3A_309 : vector<16xi32> to vector<16xi32>
        %parallel_loop3A_311 = arith.constant 1 : i32
        %parallel_loop3A_312 = vector.broadcast %parallel_loop3A_311 : i32 to vector<16xi32>
        %parallel_loop3A_313 = arith.cmpi ule, %parallel_loop3A_310, %parallel_loop3A_312 : vector<16xi32>
        %parallel_loop3A_314 = tpu.all_reduce %parallel_loop3A_313 {dim = 0 : i64, kind = #tpu.reduction_kind<sum>} : vector<16xi1> -> vector<16xi32>
        %parallel_loop3A_315 = arith.addi %parallel_loop3A_283, %parallel_loop3A_314 : vector<16xi32>
        %parallel_loop3A_316 = arith.constant 0 : i32
        %parallel_loop3A_317 = vector.broadcast %parallel_loop3A_316 : i32 to vector<16xi32>
        %parallel_loop3A_318 = arith.cmpi sgt, %parallel_loop3A_314, %parallel_loop3A_317 : vector<16xi32>
        %parallel_loop3A_319 = arith.constant 1600 : i32
        %parallel_loop3A_320 = vector.broadcast %parallel_loop3A_280 : i32 to vector<16xi32>
        %parallel_loop3A_321 = vector.broadcast %parallel_loop3A_319 : i32 to vector<16xi32>
        %parallel_loop3A_322 = arith.select %parallel_loop3A_318, %parallel_loop3A_320, %parallel_loop3A_321 : vector<16xi1>, vector<16xi32>
        %parallel_loop3A_323 = arith.minsi %parallel_loop3A_284, %parallel_loop3A_322 : vector<16xi32>
        %parallel_loop3A_324 = arith.constant 0 : i32
        %parallel_loop3A_325 = vector.broadcast %parallel_loop3A_324 : i32 to vector<16xi32>
        %parallel_loop3A_326 = arith.cmpi sgt, %parallel_loop3A_314, %parallel_loop3A_325 : vector<16xi32>
        %parallel_loop3A_327 = arith.constant 1 : i32
        %parallel_loop3A_328 = arith.addi %parallel_loop3A_280, %parallel_loop3A_327 : i32
        %parallel_loop3A_329 = arith.constant 0 : i32
        %parallel_loop3A_330 = vector.broadcast %parallel_loop3A_328 : i32 to vector<16xi32>
        %parallel_loop3A_331 = vector.broadcast %parallel_loop3A_329 : i32 to vector<16xi32>
        %parallel_loop3A_332 = arith.select %parallel_loop3A_326, %parallel_loop3A_330, %parallel_loop3A_331 : vector<16xi1>, vector<16xi32>
        %parallel_loop3A_333 = arith.maxsi %parallel_loop3A_285, %parallel_loop3A_332 : vector<16xi32>
        %parallel_loop3A_334 = arith.constant 16 : i32
        %parallel_loop3A_335 = vector.broadcast %parallel_loop3A_334 : i32 to vector<16xi32>
        %parallel_loop3A_336 = arith.addi %parallel_loop3A_282, %parallel_loop3A_335 : vector<16xi32>
        %parallel_loop3A_337 = arith.constant 50 : i32
        %parallel_loop3A_338 = vector.broadcast %parallel_loop3A_337 : i32 to vector<16xi32>
        %parallel_loop3A_339 = arith.cmpi sge, %parallel_loop3A_336, %parallel_loop3A_338 : vector<16xi32>
        %parallel_loop3A_340 = arith.constant 50 : i32
        %parallel_loop3A_341 = vector.broadcast %parallel_loop3A_340 : i32 to vector<16xi32>
        %parallel_loop3A_342 = arith.subi %parallel_loop3A_336, %parallel_loop3A_341 : vector<16xi32>
        %parallel_loop3A_343 = arith.select %parallel_loop3A_339, %parallel_loop3A_342, %parallel_loop3A_336 : vector<16xi1>, vector<16xi32>
        %parallel_loop3A_344 = arith.extui %parallel_loop3A_339 : vector<16xi1> to vector<16xi32>
        %parallel_loop3A_345 = arith.addi %parallel_loop3A_281, %parallel_loop3A_344 : vector<16xi32>
        scf.yield %parallel_loop3A_345, %parallel_loop3A_343, %parallel_loop3A_315, %parallel_loop3A_323, %parallel_loop3A_333 : vector<16xi32>, vector<16xi32>, vector<16xi32>, vector<16xi32>, vector<16xi32>
      } {sc.loop_unroll_factor = 4 : i64, sc.parallel_access}
      %reduce_max3A_255 = arith.constant true
      %reduce_max3A_256 = vector.broadcast %reduce_max3A_255 : i1 to vector<16xi1>
      %reduce_max3A_257 = arith.constant -2147483648 : i32
      %reduce_max3A_258 = vector.broadcast %reduce_max3A_257 : i32 to vector<16xi32>
      %reduce_max3A_259 = arith.xori %parallel_loop3A_254#2, %reduce_max3A_258 : vector<16xi32>
      %reduce_max3A_260 = tpu.scan <max>, %reduce_max3A_259 masked %reduce_max3A_256 : vector<16xi32>, vector<16xi1> -> vector<16xi32>
      %reduce_max3A_261 = arith.xori %reduce_max3A_260, %reduce_max3A_258 : vector<16xi32>
      %reduce_max3A_262 = vector.extract %reduce_max3A_261[15] : i32 from vector<16xi32>
      %gt3A_263 = arith.constant 0 : i32
      "tpu.trace_stop"() : () -> ()
      %gt3A_264 = arith.cmpi sgt, %reduce_max3A_262, %gt3A_263 : i32
      %convert_element_type3A_265 = arith.extui %gt3A_264 : i1 to i32
      %cond3A_266 = arith.constant 0 : i32
      %cond3A_267 = arith.cmpi ne, %convert_element_type3A_265, %cond3A_266 : i32
      scf.if %cond3A_267 {
        "tpu.trace_start"() <{level = 10 : i32, message = "fix"}> : () -> ()
        %reduce_max3A_280 = arith.constant true
        %reduce_max3A_281 = vector.broadcast %reduce_max3A_280 : i1 to vector<16xi1>
        %reduce_max3A_282 = arith.constant -2147483648 : i32
        %reduce_max3A_283 = vector.broadcast %reduce_max3A_282 : i32 to vector<16xi32>
        %reduce_max3A_284 = arith.xori %parallel_loop3A_254#3, %reduce_max3A_283 : vector<16xi32>
        %reduce_max3A_285 = tpu.scan <max>, %reduce_max3A_284 masked %reduce_max3A_281 : vector<16xi32>, vector<16xi1> -> vector<16xi32>
        %reduce_max3A_286 = arith.xori %reduce_max3A_285, %reduce_max3A_283 : vector<16xi32>
        %reduce_max3A_287 = vector.extract %reduce_max3A_286[15] : i32 from vector<16xi32>
        %reduce_max3A_288 = arith.constant true
        %reduce_max3A_289 = vector.broadcast %reduce_max3A_288 : i1 to vector<16xi1>
        %reduce_max3A_290 = arith.constant -2147483648 : i32
        %reduce_max3A_291 = vector.broadcast %reduce_max3A_290 : i32 to vector<16xi32>
        %reduce_max3A_292 = arith.xori %parallel_loop3A_254#4, %reduce_max3A_291 : vector<16xi32>
        %reduce_max3A_293 = tpu.scan <max>, %reduce_max3A_292 masked %reduce_max3A_289 : vector<16xi32>, vector<16xi1> -> vector<16xi32>
        %reduce_max3A_294 = arith.xori %reduce_max3A_293, %reduce_max3A_291 : vector<16xi32>
        %reduce_max3A_295 = vector.extract %reduce_max3A_294[15] : i32 from vector<16xi32>
        %while3A = arith.constant 0 : i32
        %while3A_296 = arith.subi %reduce_max3A_295, %reduce_max3A_287 : i32
        %while3A_297 = arith.addi %reduce_max3A_287, %while3A_296 : i32
        %while3A_298 = arith.constant 1 : i32
        %while3A_299 = arith.divsi %while3A_296, %while3A_298 : i32
        %while3A_300 = arith.muli %while3A_299, %while3A_298 : i32
        %while3A_301 = arith.addi %reduce_max3A_287, %while3A_300 : i32
        %while3A_302 = arith.constant 1 : i32
        %while3A_303 = scf.for %while3A_323 = %reduce_max3A_287 to %while3A_301 step %while3A_302 iter_args(%while3A_324 = %while3A) -> (i32)  : i32 {
          %mul3A_325 = arith.constant 16 : i32
          %mul3A_326 = arith.muli %while3A_323, %mul3A_325 : i32
          %get3A = arith.index_cast %mul3A_326 : i32 to index
          %get3A_327 = tpu.vector_load %arg11[%get3A] {strides = array<i32>} : memref<1600xi32, #tpu.memory_space<vmem>>, vector<16xi32>,
          %gather3A = tpu.vector_load_idx %arg8[%get3A_327] : memref<100000xi32, #tpu.memory_space<vmem>>[vector<16xi32>], vector<16xi32>,
          %bitcast3A = vector.bitcast %gather3A : vector<16xi32> to vector<16xi32>
          %get3A_328 = arith.index_cast %mul3A_326 : i32 to index
          %get3A_329 = tpu.vector_load %arg13[%get3A_328] {strides = array<i32>} : memref<1600xf32, #tpu.memory_space<vmem>>, vector<16xf32>,
          %mul3A_330 = arith.constant 3.276800e+04 : f32
          %mul3A_331 = vector.broadcast %mul3A_330 : f32 to vector<16xf32>
          %mul3A_332 = arith.mulf %get3A_329, %mul3A_331 : vector<16xf32>
          %convert_element_type3A_333 = arith.fptosi %mul3A_332 : vector<16xf32> to vector<16xi32>
          %shift_right_logical3A = arith.constant 17 : i32
          %shift_right_logical3A_334 = vector.broadcast %shift_right_logical3A : i32 to vector<16xi32>
          %shift_right_logical3A_335 = arith.shrui %bitcast3A, %shift_right_logical3A_334 : vector<16xi32>
          %and3A = arith.constant 131071 : i32
          %and3A_336 = vector.broadcast %and3A : i32 to vector<16xi32>
          %and3A_337 = arith.andi %bitcast3A, %and3A_336 : vector<16xi32>
          %sub3A = arith.subi %convert_element_type3A_333, %shift_right_logical3A_335 : vector<16xi32>
          %add3A_338 = arith.constant 1 : i32
          %add3A_339 = vector.broadcast %add3A_338 : i32 to vector<16xi32>
          %add3A_340 = arith.addi %sub3A, %add3A_339 : vector<16xi32>
          %bitcast3A_341 = vector.bitcast %add3A_340 : vector<16xi32> to vector<16xi32>
          %le3A = arith.constant 1 : i32
          %le3A_342 = vector.broadcast %le3A : i32 to vector<16xi32>
          %le3A_343 = arith.cmpi ule, %bitcast3A_341, %le3A_342 : vector<16xi32>
          %min3A_344 = arith.constant 112 : i32
          %min3A_345 = arith.minsi %while3A_324, %min3A_344 : i32
          %mul3A_346 = arith.constant 16 : i32
          %mul3A_347 = arith.muli %while3A_323, %mul3A_346 : i32
          %iota3A_348 = tpu.iota {dimensions = array<i32: 0>} : vector<16xi32>
          %add3A_349 = vector.broadcast %mul3A_347 : i32 to vector<16xi32>
          %add3A_350 = arith.addi %add3A_349, %iota3A_348 : vector<16xi32>
          %swap3A = arith.index_cast %min3A_345 : i32 to index
          %swap3A_351 = tpu.vector_load %arg16[%swap3A] masked %le3A_343 {strides = array<i32>} : memref<128xi32, #tpu.memory_space<vmem>>, vector<16xi32>, vector<16xi1>
          tpu.vector_store %arg16[%swap3A], %add3A_350 masked %le3A_343 {strides = array<i32>} : memref<128xi32, #tpu.memory_space<vmem>>, vector<16xi32>, vector<16xi1>
          %all_reduce_population_count3A = tpu.all_reduce %le3A_343 {dim = 0 : i64, kind = #tpu.reduction_kind<sum>} : vector<16xi1> -> vector<16xi32>
          %reduce_max3A_352 = arith.constant true
          %reduce_max3A_353 = vector.broadcast %reduce_max3A_352 : i1 to vector<16xi1>
          %reduce_max3A_354 = arith.constant -2147483648 : i32
          %reduce_max3A_355 = vector.broadcast %reduce_max3A_354 : i32 to vector<16xi32>
          %reduce_max3A_356 = arith.xori %all_reduce_population_count3A, %reduce_max3A_355 : vector<16xi32>
          %reduce_max3A_357 = tpu.scan <max>, %reduce_max3A_356 masked %reduce_max3A_353 : vector<16xi32>, vector<16xi1> -> vector<16xi32>
          %reduce_max3A_358 = arith.xori %reduce_max3A_357, %reduce_max3A_355 : vector<16xi32>
          %reduce_max3A_359 = vector.extract %reduce_max3A_358[15] : i32 from vector<16xi32>
          %add3A_360 = arith.addi %while3A_324, %reduce_max3A_359 : i32
          scf.yield %add3A_360 : i32
        }
        %while3A_304 = arith.constant 1 : i32
        %while3A_305 = scf.for %while3A_323 = %while3A_301 to %while3A_297 step %while3A_304 iter_args(%while3A_324 = %while3A_303) -> (i32)  : i32 {
          %mul3A_325 = arith.constant 16 : i32
          %mul3A_326 = arith.muli %while3A_323, %mul3A_325 : i32
          %get3A = arith.index_cast %mul3A_326 : i32 to index
          %get3A_327 = tpu.vector_load %arg11[%get3A] {strides = array<i32>} : memref<1600xi32, #tpu.memory_space<vmem>>, vector<16xi32>,
          %gather3A = tpu.vector_load_idx %arg8[%get3A_327] : memref<100000xi32, #tpu.memory_space<vmem>>[vector<16xi32>], vector<16xi32>,
          %bitcast3A = vector.bitcast %gather3A : vector<16xi32> to vector<16xi32>
          %get3A_328 = arith.index_cast %mul3A_326 : i32 to index
          %get3A_329 = tpu.vector_load %arg13[%get3A_328] {strides = array<i32>} : memref<1600xf32, #tpu.memory_space<vmem>>, vector<16xf32>,
          %mul3A_330 = arith.constant 3.276800e+04 : f32
          %mul3A_331 = vector.broadcast %mul3A_330 : f32 to vector<16xf32>
          %mul3A_332 = arith.mulf %get3A_329, %mul3A_331 : vector<16xf32>
          %convert_element_type3A_333 = arith.fptosi %mul3A_332 : vector<16xf32> to vector<16xi32>
          %shift_right_logical3A = arith.constant 17 : i32
          %shift_right_logical3A_334 = vector.broadcast %shift_right_logical3A : i32 to vector<16xi32>
          %shift_right_logical3A_335 = arith.shrui %bitcast3A, %shift_right_logical3A_334 : vector<16xi32>
          %and3A = arith.constant 131071 : i32
          %and3A_336 = vector.broadcast %and3A : i32 to vector<16xi32>
          %and3A_337 = arith.andi %bitcast3A, %and3A_336 : vector<16xi32>
          %sub3A = arith.subi %convert_element_type3A_333, %shift_right_logical3A_335 : vector<16xi32>
          %add3A_338 = arith.constant 1 : i32
          %add3A_339 = vector.broadcast %add3A_338 : i32 to vector<16xi32>
          %add3A_340 = arith.addi %sub3A, %add3A_339 : vector<16xi32>
          %bitcast3A_341 = vector.bitcast %add3A_340 : vector<16xi32> to vector<16xi32>
          %le3A = arith.constant 1 : i32
          %le3A_342 = vector.broadcast %le3A : i32 to vector<16xi32>
          %le3A_343 = arith.cmpi ule, %bitcast3A_341, %le3A_342 : vector<16xi32>
          %min3A_344 = arith.constant 112 : i32
          %min3A_345 = arith.minsi %while3A_324, %min3A_344 : i32
          %mul3A_346 = arith.constant 16 : i32
          %mul3A_347 = arith.muli %while3A_323, %mul3A_346 : i32
          %iota3A_348 = tpu.iota {dimensions = array<i32: 0>} : vector<16xi32>
          %add3A_349 = vector.broadcast %mul3A_347 : i32 to vector<16xi32>
          %add3A_350 = arith.addi %add3A_349, %iota3A_348 : vector<16xi32>
          %swap3A = arith.index_cast %min3A_345 : i32 to index
          %swap3A_351 = tpu.vector_load %arg16[%swap3A] masked %le3A_343 {strides = array<i32>} : memref<128xi32, #tpu.memory_space<vmem>>, vector<16xi32>, vector<16xi1>
          tpu.vector_store %arg16[%swap3A], %add3A_350 masked %le3A_343 {strides = array<i32>} : memref<128xi32, #tpu.memory_space<vmem>>, vector<16xi32>, vector<16xi1>
          %all_reduce_population_count3A = tpu.all_reduce %le3A_343 {dim = 0 : i64, kind = #tpu.reduction_kind<sum>} : vector<16xi1> -> vector<16xi32>
          %reduce_max3A_352 = arith.constant true
          %reduce_max3A_353 = vector.broadcast %reduce_max3A_352 : i1 to vector<16xi1>
          %reduce_max3A_354 = arith.constant -2147483648 : i32
          %reduce_max3A_355 = vector.broadcast %reduce_max3A_354 : i32 to vector<16xi32>
          %reduce_max3A_356 = arith.xori %all_reduce_population_count3A, %reduce_max3A_355 : vector<16xi32>
          %reduce_max3A_357 = tpu.scan <max>, %reduce_max3A_356 masked %reduce_max3A_353 : vector<16xi32>, vector<16xi1> -> vector<16xi32>
          %reduce_max3A_358 = arith.xori %reduce_max3A_357, %reduce_max3A_355 : vector<16xi32>
          %reduce_max3A_359 = vector.extract %reduce_max3A_358[15] : i32 from vector<16xi32>
          %add3A_360 = arith.addi %while3A_324, %reduce_max3A_359 : i32
          scf.yield %add3A_360 : i32
        }
        %min3A = arith.constant 112 : i32
        %min3A_306 = arith.minsi %while3A_305, %min3A : i32
        %scan3A_307 = arith.constant 0 : i32
        %scan3A_308 = arith.constant 0 : i32
        %scan3A_309 = arith.constant 8 : i32
        %scan3A_310 = arith.addi %scan3A_308, %scan3A_309 : i32
        %scan3A_311 = arith.constant 1 : i32
        scf.for %scan3A_323 = %scan3A_308 to %scan3A_310 step %scan3A_311  : i32 {
          %mul3A_324 = arith.constant 16 : i32
          %mul3A_325 = arith.muli %scan3A_323, %mul3A_324 : i32
          %get3A = arith.index_cast %mul3A_325 : i32 to index
          %get3A_326 = tpu.vector_load %arg16[%get3A] {strides = array<i32>} : memref<128xi32, #tpu.memory_space<vmem>>, vector<16xi32>,
          %gather3A = tpu.vector_load_idx %arg11[%get3A_326] : memref<1600xi32, #tpu.memory_space<vmem>>[vector<16xi32>], vector<16xi32>,
          %swap3A = arith.index_cast %mul3A_325 : i32 to index
          %swap3A_327 = tpu.vector_load %arg17[%swap3A] {strides = array<i32>} : memref<128xi32, #tpu.memory_space<vmem>>, vector<16xi32>,
          tpu.vector_store %arg17[%swap3A], %gather3A {strides = array<i32>} : memref<128xi32, #tpu.memory_space<vmem>>, vector<16xi32>,
        }
        %scan3A_312 = arith.constant 8 : i32
        %dma_start3A_313 = arith.constant 0 : i32
        %dma_start3A_314 = tpu.memref_slice %arg9[%dma_start3A_313] : memref<100000xf32, #tpu.memory_space<vmem_shared>> -> memref<100000xf32, #tpu.memory_space<vmem_shared>>
        tpu.enqueue_indirect_dma source(%dma_start3A_314 : memref<100000xf32, #tpu.memory_space<vmem_shared>>) target(%arg18 : memref<128xf32, #tpu.memory_space<vmem>>) offsets(%arg17 : memref<128xi32, #tpu.memory_space<vmem>>) semaphore(%arg23 : memref<!tpu.dma_semaphore, #tpu.memory_space<semaphore_mem>>)
        %dma_wait3A_315 = arith.constant 0 : i32
        %dma_wait3A_316 = tpu.memref_slice %arg9[%dma_wait3A_315] : memref<100000xf32, #tpu.memory_space<vmem_shared>> -> memref<100000xf32, #tpu.memory_space<vmem_shared>>
        tpu.wait_indirect_dma semaphore(%arg23 : memref<!tpu.dma_semaphore, #tpu.memory_space<semaphore_mem>>) src(%dma_wait3A_316 : memref<100000xf32, #tpu.memory_space<vmem_shared>>) dst(%arg18 : memref<128xf32, #tpu.memory_space<vmem>>)
        %scan3A_317 = arith.constant 0 : i32
        %scan3A_318 = arith.constant 0 : i32
        %scan3A_319 = arith.constant 8 : i32
        %scan3A_320 = arith.addi %scan3A_318, %scan3A_319 : i32
        %scan3A_321 = arith.constant 1 : i32
        scf.for %scan3A_323 = %scan3A_318 to %scan3A_320 step %scan3A_321  : i32 {
          %mul3A_324 = arith.constant 16 : i32
          %mul3A_325 = arith.muli %scan3A_323, %mul3A_324 : i32
          %get3A = arith.index_cast %mul3A_325 : i32 to index
          %get3A_326 = tpu.vector_load %arg16[%get3A] {strides = array<i32>} : memref<128xi32, #tpu.memory_space<vmem>>, vector<16xi32>,
          %get3A_327 = arith.index_cast %mul3A_325 : i32 to index
          %get3A_328 = tpu.vector_load %arg17[%get3A_327] {strides = array<i32>} : memref<128xi32, #tpu.memory_space<vmem>>, vector<16xi32>,
          %gather3A = tpu.vector_load_idx %arg13[%get3A_326] : memref<1600xf32, #tpu.memory_space<vmem>>[vector<16xi32>], vector<16xf32>,
          %get3A_329 = arith.index_cast %mul3A_325 : i32 to index
          %get3A_330 = tpu.vector_load %arg18[%get3A_329] {strides = array<i32>} : memref<128xf32, #tpu.memory_space<vmem>>, vector<16xf32>,
          %lt3A_331 = arith.cmpf olt, %gather3A, %get3A_330 : vector<16xf32>
          %gather3A_332 = tpu.vector_load_idx %arg8[%get3A_328] : memref<100000xi32, #tpu.memory_space<vmem>>[vector<16xi32>], vector<16xi32>,
          %bitcast3A = vector.bitcast %gather3A_332 : vector<16xi32> to vector<16xi32>
          %shift_right_logical3A = arith.constant 17 : i32
          %shift_right_logical3A_333 = vector.broadcast %shift_right_logical3A : i32 to vector<16xi32>
          %shift_right_logical3A_334 = arith.shrui %bitcast3A, %shift_right_logical3A_333 : vector<16xi32>
          %and3A = arith.constant 131071 : i32
          %and3A_335 = vector.broadcast %and3A : i32 to vector<16xi32>
          %and3A_336 = arith.andi %bitcast3A, %and3A_335 : vector<16xi32>
          %select_n3A_337 = arith.select %lt3A_331, %get3A_328, %and3A_336 : vector<16xi1>, vector<16xi32>
          %mul3A_338 = arith.constant 5243 : i32
          %mul3A_339 = vector.broadcast %mul3A_338 : i32 to vector<16xi32>
          %mul3A_340 = arith.muli %get3A_326, %mul3A_339 : vector<16xi32>
          %shift_right_arithmetic3A = arith.constant 18 : i32
          %shift_right_arithmetic3A_341 = vector.broadcast %shift_right_arithmetic3A : i32 to vector<16xi32>
          %shift_right_arithmetic3A_342 = arith.shrsi %mul3A_340, %shift_right_arithmetic3A_341 : vector<16xi32>
          %mul3A_343 = arith.constant 50 : i32
          %mul3A_344 = vector.broadcast %mul3A_343 : i32 to vector<16xi32>
          %mul3A_345 = arith.muli %shift_right_arithmetic3A_342, %mul3A_344 : vector<16xi32>
          %sub3A = arith.subi %get3A_326, %mul3A_345 : vector<16xi32>
          %mul3A_346 = arith.constant 16 : i32
          %mul3A_347 = arith.muli %scan3A_323, %mul3A_346 : i32
          %iota3A_348 = tpu.iota {dimensions = array<i32: 0>} : vector<16xi32>
          %add3A_349 = vector.broadcast %mul3A_347 : i32 to vector<16xi32>
          %add3A_350 = arith.addi %add3A_349, %iota3A_348 : vector<16xi32>
          %lt3A_351 = vector.broadcast %min3A_306 : i32 to vector<16xi32>
          %lt3A_352 = arith.cmpi slt, %add3A_350, %lt3A_351 : vector<16xi32>
          tpu.vector_store_idx %arg15[%shift_right_arithmetic3A_342, %sub3A], %select_n3A_337 masked %lt3A_352 : memref<32x64xi32, #tpu.memory_space<vmem>>[vector<16xi32>, vector<16xi32>], vector<16xi32>, vector<16xi1>
        }
        %scan3A_322 = arith.constant 8 : i32
        "tpu.trace_stop"() : () -> ()
      } else {
      }
      %mul3A_268 = arith.constant 32 : i32
      %mul3A_269 = arith.muli %add3A_229, %mul3A_268 : i32
      %add3A_270 = arith.addi %mul3A_4, %mul3A_269 : i32
      %dma_start3A_271 = arith.constant 0 : i32
      %dma_start3A_272 = tpu.memref_slice %arg6[%add3A_270, %dma_start3A_271] : memref<16384x64xi32, #tpu.memory_space<hbm>> -> memref<32x64xi32, #tpu.memory_space<hbm>>
      %dma_start3A_273 = arith.constant 0 : i32
      %dma_start3A_274 = tpu.memref_slice %arg6[%add3A_270, %dma_start3A_273] : memref<16384x64xi32, #tpu.memory_space<hbm>> -> memref<32x64xi32, #tpu.memory_space<hbm>>
      tpu.enqueue_dma source(%arg15 : memref<32x64xi32, #tpu.memory_space<vmem>>) target(%dma_start3A_274 : memref<32x64xi32, #tpu.memory_space<hbm>>) target_semaphore(%arg25 : memref<!tpu.dma_semaphore, #tpu.memory_space<semaphore_mem>>)
      %lt3A_275 = arith.constant 7 : i32
      %lt3A_276 = arith.cmpi slt, %scan3A_178, %lt3A_275 : i32
      %convert_element_type3A_277 = arith.extui %lt3A_276 : i1 to i32
      %cond3A_278 = arith.constant 0 : i32
      %cond3A_279 = arith.cmpi ne, %convert_element_type3A_277, %cond3A_278 : i32
      scf.if %cond3A_279 {
        %add3A_280 = arith.constant 2 : i32
        %add3A_281 = arith.addi %add3A_229, %add3A_280 : i32
        %mul3A_282 = arith.constant 1600 : i32
        %mul3A_283 = arith.muli %add3A_281, %mul3A_282 : i32
        %add3A_284 = arith.addi %mul3A_2, %mul3A_283 : i32
        %dma_start3A_285 = tpu.memref_slice %arg4[%add3A_284] : memref<819200xi32, #tpu.memory_space<hbm>> -> memref<1600xi32, #tpu.memory_space<hbm>>
        %dma_start3A_286 = tpu.memref_slice %arg4[%add3A_284] : memref<819200xi32, #tpu.memory_space<hbm>> -> memref<1600xi32, #tpu.memory_space<hbm>>
        tpu.enqueue_dma source(%dma_start3A_286 : memref<1600xi32, #tpu.memory_space<hbm>>) target(%arg11 : memref<1600xi32, #tpu.memory_space<vmem>>) target_semaphore(%arg20 : memref<!tpu.dma_semaphore, #tpu.memory_space<semaphore_mem>>)
        %dma_start3A_287 = tpu.memref_slice %arg5[%add3A_284] : memref<819200xf32, #tpu.memory_space<hbm>> -> memref<1600xf32, #tpu.memory_space<hbm>>
        %dma_start3A_288 = tpu.memref_slice %arg5[%add3A_284] : memref<819200xf32, #tpu.memory_space<hbm>> -> memref<1600xf32, #tpu.memory_space<hbm>>
        tpu.enqueue_dma source(%dma_start3A_288 : memref<1600xf32, #tpu.memory_space<hbm>>) target(%arg13 : memref<1600xf32, #tpu.memory_space<vmem>>) target_semaphore(%arg22 : memref<!tpu.dma_semaphore, #tpu.memory_space<semaphore_mem>>)
      } else {
      }
    }
    %scan3A_165 = arith.constant 8 : i32
    %add3A_166 = arith.constant 448 : i32
    %add3A_167 = arith.addi %mul3A_4, %add3A_166 : i32
    %dma_wait3A_168 = arith.constant 0 : i32
    %dma_wait3A_169 = tpu.memref_slice %arg6[%add3A_167, %dma_wait3A_168] : memref<16384x64xi32, #tpu.memory_space<hbm>> -> memref<32x64xi32, #tpu.memory_space<hbm>>
    %dma_wait3A_170 = arith.constant 0 : i32
    %dma_wait3A_171 = tpu.memref_slice %arg6[%add3A_167, %dma_wait3A_170] : memref<16384x64xi32, #tpu.memory_space<hbm>> -> memref<32x64xi32, #tpu.memory_space<hbm>>
    tpu.wait_dma2 semaphore(%arg24 : memref<!tpu.dma_semaphore, #tpu.memory_space<semaphore_mem>>) src(%arg14 : memref<32x64xi32, #tpu.memory_space<vmem>>) dst(%dma_wait3A_171 : memref<32x64xi32, #tpu.memory_space<hbm>>)
    %add3A_172 = arith.constant 480 : i32
    %add3A_173 = arith.addi %mul3A_4, %add3A_172 : i32
    %dma_wait3A_174 = arith.constant 0 : i32
    %dma_wait3A_175 = tpu.memref_slice %arg6[%add3A_173, %dma_wait3A_174] : memref<16384x64xi32, #tpu.memory_space<hbm>> -> memref<32x64xi32, #tpu.memory_space<hbm>>
    %dma_wait3A_176 = arith.constant 0 : i32
    %dma_wait3A_177 = tpu.memref_slice %arg6[%add3A_173, %dma_wait3A_176] : memref<16384x64xi32, #tpu.memory_space<hbm>> -> memref<32x64xi32, #tpu.memory_space<hbm>>
    tpu.wait_dma2 semaphore(%arg25 : memref<!tpu.dma_semaphore, #tpu.memory_space<semaphore_mem>>) src(%arg15 : memref<32x64xi32, #tpu.memory_space<vmem>>) dst(%dma_wait3A_177 : memref<32x64xi32, #tpu.memory_space<hbm>>)
    return
  }
}

</mosaic_0001>

<sc_bundles>
// kernel: _sample.3.cloned.1.call-start
scs
__scs_entry_jumppad:
0x0: {  	(pc) =	sbr.rel $0x88, $3  }
0x1: {  	(tag) =	ssettag $0x0;
	lr =	simm.s32 $0x1  }
0x2: {  	[smem:$0x3F9D] =	sst lr;
	_ =	strace $0xD0000000  }
0x3: {  	_ = 	snop  }
0x4: {  	_ = 	snop  }
0x5: {  	_ = 	snop  }
0x6: {  	_ = 	snop  }
0x7: {  	_ = 	snop  }
__scs_overlays_trampoline_lowered:
0x8: {  	[smem:$0x3FAC] =	sst s0  }
0x9: {  	[smem:$0x3FAD] =	sst s1  }
0xa: {  	[smem:$0x3FAE] =	sst s2  }
0xb: {  	[smem:$0x3FAF] =	sst s3  }
0xc: {  	[smem:$0x3FB0] =	sst s4  }
0xd: {  	[smem:$0x3FB1] =	sst s5  }
0xe: {  	[smem:$0x3FB2] =	sst s6  }
0xf: {  	[smem:$0x3FB3] =	sst s7  }
0x10: {  	[smem:$0x3FB4] =	sst s8  }
0x11: {  	[smem:$0x3FB5] =	sst s9;
	s0 =	simm.s32 @!p0 $0x0  }
0x12: {  	s1 =	sld [smem:$0x3F9B];
	s0 =	simm.s32 @p0 $0x1  }
0x13: {  	[smem:$0x3FB6] =	sst s0;
	s0 =	simm.s32 @!p1 $0x0  }
0x14: {  	s2 =	sld [smem:$0x3F9A];
	s0 =	simm.s32 @p1 $0x1  }
0x15: {  	[smem:$0x3FB7] =	sst s0;
	s0 =	simm.s32 @!p2 $0x0  }
0x16: {  	s3 =	sld [smem:$0x3FDB];
	s0 =	simm.s32 @p2 $0x1  }
0x17: {  	s4 =	simm.s32 $0x1BF5;
	[smem:$0x3FB9] =	sst s0  }
0x18: {  	s0 =	sld [smem:$0x3F9C];
	_ =	swait.ge [sflag:s4], $0x0  }
0x19: {  	s7 =	sld [smem:$0x3F9D]  }
0x1a: {  	s8 =	sadd.s32 $0xFFFFE003, lr  }
0x1b: {  	s9 =	sadd.s32 $0xFFFFFEF7, lr;
	s5 =	simm.s32 $0xFFFFFFFF;
	p2 =	slt.u32 s8, $0xFFFFF086  }
0x1c: {  	p1 =	slt.u32 s9, $0xF7A;
	s5 =	simm.s32 @!p2 $0x0  }
0x1d: {  	s5 =	simm.s32 @p1 $0x1;
	p0 =	seq.s32 s7, s2  }
0x1e: {  	s7 =	smul.u32 @!p0 $0xF7A, s2;
	p2 =	seq.s32 @!p0 s5, $0x0  }
0x1f: {  	s9 =	smul.u32 $0xF7A, s1;
	s8 =	simm.s32 @!p0 $0x1BF5;
	p2 =	por !p2, p0  }
0x20: {  	[sflag:s8] =	ssyncset.s32 @!p0 $0xFFFFF086;
	s6 =	sadd.s32 @!p0 s3, s7;
	s7 =	simm.s32 @!p0 $0x108  }
0x21: {  	s3 =	sadd.s32 s3, s9;
	s6 =	sadd.s32 @!p0 $0x88, s6;
	s7 =	simm.s32 @p2 $0x1082  }
0x22: {  	[simem:s7], [sflag:s8] =	dma.local @!p0 [hbm:s6], $0xF7A  }
0x23: {  	s9 =	sor.u32 $0xD0000000, s2;
	s6 =	simm.s32 $0x108;
	_ =	swait.ge @!p0 [sflag:s8], $0x0  }
0x24: {  	s3 =	sadd.s32 $0x88, s3;
	s6 =	simm.s32 @!p1 $0x1082;
	[sflag:s4] =	ssyncset.s32 $0xFFFFF086  }
0x25: {  	[simem:s6], [sflag:s4] =	dma.local [hbm:s3], $0xF7A  }
0x26: {  	[smem:$0x3F9D] =	sst s1;
	(tag) =	ssettag s2;
	_ =	strace s9  }
0x27: {  	s1 =	sld [smem:$0x3FAD]  }
0x28: {  	s2 =	sld [smem:$0x3FAE]  }
0x29: {  	s4 =	sld [smem:$0x3FB0]  }
0x2a: {  	p0 =	seq.s32 s5, $0x0;
	s5 =	sld [smem:$0x3FB1]  }
0x2b: {  	s6 =	sld [smem:$0x3FB2]  }
0x2c: {  	s7 =	sld [smem:$0x3FB3]  }
0x2d: {  	s3 =	simm.s32 $0x108;
	s8 =	sld [smem:$0x3FB4]  }
0x2e: {  	s3 =	simm.s32 @!p0 $0x1082;
	s9 =	sld [smem:$0x3FB5]  }
0x2f: {  	lr =	sadd.s32 s0, s3;
	s0 =	sld [smem:$0x3FAC]  }
0x30: {  	s3 =	sld [smem:$0x3FAF]  }
0x31: {  	[smem:$0x3FB8] =	sst s10  }
0x32: {  	s10 =	sld [smem:$0x3FB6];
	_ =	sdelay $0x3  }
0x33: {  	p0 =	seq.s32 s10, $0x1;
	s10 =	sld [smem:$0x3FB8];
	_ =	sdelay $0x3  }
0x34: {  	[smem:$0x3FB8] =	sst s10  }
0x35: {  	s10 =	sld [smem:$0x3FB7];
	_ =	sdelay $0x3  }
0x36: {  	p1 =	seq.s32 s10, $0x1;
	s10 =	sld [smem:$0x3FB8];
	_ =	sdelay $0x3  }
0x37: {  	[smem:$0x3FB8] =	sst s10  }
0x38: {  	s10 =	sld [smem:$0x3FB9]  }
0x39: {  	_ = 	snop;
	(pc) =	sbr.ind lr, $3  }
0x3a: {  	_ = 	snop  }
0x3b: {  	_ = 	snop  }
0x3c: {  	p2 =	seq.s32 s10, $0x1;
	s10 =	sld [smem:$0x3FB8]  }
0x3d: {  	_ =	shalt  }
0x3e: {  	_ =	shalt  }
0x3f: {  	_ =	shalt  }
0x40: {  	_ =	shalt  }
0x41: {  	_ =	shalt  }
0x42: {  	_ =	shalt  }
0x43: {  	_ =	shalt  }
0x44: {  	_ =	shalt  }
0x45: {  	_ =	shalt  }
0x46: {  	_ =	shalt  }
0x47: {  	_ =	shalt  }
0x48: {  	_ =	shalt  }
0x49: {  	_ =	shalt  }
0x4a: {  	_ =	shalt  }
0x4b: {  	_ =	shalt  }
0x4c: {  	_ =	shalt  }
0x4d: {  	_ =	shalt  }
0x4e: {  	_ =	shalt  }
0x4f: {  	_ =	shalt  }
0x50: {  	_ =	shalt  }
0x51: {  	_ =	shalt  }
0x52: {  	_ =	shalt  }
0x53: {  	_ =	shalt  }
0x54: {  	_ =	shalt  }
0x55: {  	_ =	shalt  }
0x56: {  	_ =	shalt  }
0x57: {  	_ =	shalt  }
0x58: {  	_ =	shalt  }
0x59: {  	_ =	shalt  }
0x5a: {  	_ =	shalt  }
0x5b: {  	_ =	shalt  }
0x5c: {  	_ =	shalt  }
0x5d: {  	_ =	shalt  }
0x5e: {  	_ =	shalt  }
0x5f: {  	_ =	shalt  }
0x60: {  	_ =	shalt  }
0x61: {  	_ =	shalt  }
0x62: {  	_ =	shalt  }
0x63: {  	_ =	shalt  }
0x64: {  	_ =	shalt  }
0x65: {  	_ =	shalt  }
0x66: {  	_ =	shalt  }
0x67: {  	_ =	shalt  }
0x68: {  	_ =	shalt  }
0x69: {  	_ =	shalt  }
0x6a: {  	_ =	shalt  }
0x6b: {  	_ =	shalt  }
0x6c: {  	_ =	shalt  }
0x6d: {  	_ =	shalt  }
0x6e: {  	_ =	shalt  }
0x6f: {  	_ =	shalt  }
0x70: {  	_ =	shalt  }
0x71: {  	_ =	shalt  }
0x72: {  	_ =	shalt  }
0x73: {  	_ =	shalt  }
0x74: {  	_ =	shalt  }
0x75: {  	_ =	shalt  }
0x76: {  	_ =	shalt  }
0x77: {  	_ =	shalt  }
0x78: {  	_ =	shalt  }
0x79: {  	_ =	shalt  }
0x7a: {  	_ =	shalt  }
0x7b: {  	_ =	shalt  }
0x7c: {  	_ =	shalt  }
0x7d: {  	_ =	shalt  }
0x7e: {  	_ =	shalt  }
0x7f: {  	_ =	shalt  }
0x80: {  	_ =	shalt  }
0x81: {  	_ =	shalt  }
0x82: {  	_ =	shalt  }
0x83: {  	_ =	shalt  }
0x84: {  	_ =	shalt  }
0x85: {  	_ =	shalt  }
0x86: {  	_ =	shalt  }
0x87: {  	_ =	shalt  }
.Lfunc_end0:
.L_simem_size_0:
called_computation_lowered:
.L_overlay_start_0:
0x88: {  	s2 =	sld [smem:$0x3FD9]  }
0x89: {  	s3 =	sld [smem:$0x3FFE];
	_ =	sdelay $0x1  }
0x8a: {  	s1 =	srdreg.scid  }
0x8b: {  	s0 =	sand.u32 $0x1, s1  }
0x8c: {  	s17 =	sshll.u32 s0, $0xA;
	s2 =	sadd.s32 s3, s2  }
0x8d: {  	s2 =	sadd.s32 s2, s17  }
0x8e: {  	[smem:$0x3FC4] =	sst s2  }
0x8f: {  	_ = 	snop  }
0x90: {  	s2 =	sld [smem:$0x3FC9]  }
0x91: {  	s18 =	sld [smem:$0x3FC8]  }
0x92: {  	s4 =	sld [smem:$0x3FC7]  }
0x93: {  	s5 =	sld [smem:$0x3FC6]  }
0x94: {  	s6 =	sld [smem:$0x3FD0];
	(tm) =	ssettm $0x1  }
0x95: {  	s7 =	sld [smem:$0x3FFB];
	_ =	sdelay $0x3  }
0x96: {  	_ =	strace s7  }
0x97: {  	s7 =	sld [smem:$0x3FFC];
	_ =	sdelay $0x3  }
0x98: {  	_ =	strace s7  }
0x99: {  	s7 =	sld [smem:$0x3FFD];
	_ =	sdelay $0x3  }
0x9a: {  	_ =	strace s7  }
0x9b: {  	_ =	strace $0x8FFFFFFF  }
0x9c: {  	s19 =	sld [smem:$0x3FDB];
	_ =	sdelay $0x1  }
0x9d: {  	s8 =	simm.s32 $_scs_section_size  }
0x9e: {  	s9 =	simm.s32 $_size__tile_overlayer_lowered;
	s10 =	simm.s32 $_tile_overlayer_lowered  }
0x9f: {  	s22 =	simm.s32 $0x1BFF;
	s21 =	sshll.u32 s10, $0x1;
	s7 =	sadd.s32 s8, s19  }
0xa0: {  	s11 =	simm.s32 $0x0;
	s20 =	sshll.u32 s9, $0x1;
	s9 =	sadd.s32 s21, s7  }
0xa1: {  	[timem:s11], [sflag:s22] =	dma.local [hbm:s9], s20  }
0xa2: {  	_ =	swait.ge [sflag:s22], s20  }
0xa3: {  	s8 =	ssub.s32 $0x0, s20;
	[sflag:s22] =	ssyncset.done $0x0  }
0xa4: {  	[sflag:s22] =	ssyncadd.s32 s8;
	_ =	sdelay $0x1  }
0xa5: {  	s23 =	simm.s32 $0x1B8B  }
0xa6: {  	_ =	swait.ge [sflag:s23], $0x1  }
0xa7: {  	[sflag:s23] =	ssyncset.done $0x0  }
0xa8: {  	s25 =	simm.s32 $0x1B8E;
	s24 =	sld [smem:$0x3FFE];
	[sflag:s23] =	ssyncadd.s32 $0xFFFFFFFF  }
0xa9: {  	s26 =	simm.s32 $execute0_lowered;
	[smem:$0x3FD2] =	sst s25  }
0xaa: {  	s9 =	sshll.u32 s26, $0x1;
	_ =	strace $0x80000046;
	[dreg:$0x1] =	wrdreg $0xFFFFFFFF  }
0xab: {  	s28 =	simm.s32 $_size_execute0_lowered;
	s7 =	sadd.s32 s7, s9;
	[dreg:$0x0] =	wrdreg $0x0  }
0xac: {  	s9 =	sshll.u32 s28, $0x1;
	[dreg:$0x2] =	wrdreg s7  }
0xad: {  	[dreg:$0x3] =	wrdreg s9  }
0xae: {  	[dreg:$0x4] =	wrdreg $0xC0  }
0xaf: {  	_ =	task [dreg:s11], $0x5FFFF  }
0xb0: {  	[dreg:$0x1] =	wrdreg $0xFFFFFFFF  }
0xb1: {  	[dreg:$0x0] =	wrdreg $0x60  }
0xb2: {  	[dreg:$0x2] =	wrdreg s2  }
0xb3: {  	[dreg:$0x3] =	wrdreg s18  }
0xb4: {  	[dreg:$0x4] =	wrdreg s4  }
0xb5: {  	[dreg:$0x5] =	wrdreg s5  }
0xb6: {  	[dreg:$0x6] =	wrdreg s24  }
0xb7: {  	[dreg:$0x7] =	wrdreg s6  }
0xb8: {  	[dreg:$0x8] =	wrdreg $0x187000  }
0xb9: {  	[dreg:$0x9] =	wrdreg $0x9  }
0xba: {  	_ =	task.clear_ibuf [dreg:s11], $0xAFFFF;
	_ =	strace $0x90000046  }
0xbb: {  	s29 =	simm.s32 $0x9;
	_ =	strace $0x8000004E  }
0xbc: {  	_ =	swait.ge [sflag:s29], $0x1  }
0xbd: {  	[sflag:s29] =	ssyncadd.s32 $0xFFFFFFFF  }
0xbe: {  	_ =	strace $0x9000004E  }
0xbf: {  	_ =	sfence  }
0xc0: {  	s30 =	sld [smem:$0x0];
	_ =	sdelay $0x2  }
0xc1: {  	s31 =	sshll.u32 s1, $0xD;
	s1 =	sshrl.u32 s1, $0x2  }
0xc2: {  	s3 =	sand.u32 $0x4000, s31;
	s1 =	sadd.s32 s1, s30  }
0xc3: {  	s0 =	sor.u32 s3, s0;
	s1 =	sshll.u32 s1, $0x11  }
0xc4: {  	s0 =	sor.u32 s1, s0  }
0xc5: {  	s0 =	sadd.s32 $0x8F2B, s0  }
0xc6: {  	[sflag:s0] =	ssyncadd.remote.s32 $0x1  }
0xc7: {  	_ =	sfence.sel $0xFFFF  }
0xc8: {  	[dreg:$0x0] =	wrdreg $0xFFFFFFFF;
	(pc) =	sbr.abs _section_cstart, $3  }
0xc9: {  	[dreg:$0x1] =	wrdreg $0xFFFFFFFF  }
0xca: {  	_ =	task.clear_ibuf [dreg:s11], $0x2FFFF;
	_ =	strace $0x9FFFFFFF  }
0xcb: {  	(tm) =	ssettm $0x7FFFFFFF  }
tec
execute0_lowered:
.L_overlay_start_1:
0x0: {  	(tag) =	ssettag $0x1  }
0x1: {  	s0 =	rddreg [dreg:$0x0]  }
0x2: {  	s3 =	rddreg [dreg:$0x1]  }
0x3: {  	s1 =	rddreg [dreg:$0x2]  }
0x4: {  	s2 =	rddreg [dreg:$0x3]  }
0x5: {  	s5 =	rddreg [dreg:$0x4]  }
0x6: {  	s4 =	srdreg.scid;
	s6 =	rddreg [dreg:$0x5]  }
0x7: {  	s12 =	stileid.u32;
	s20 =	rddreg [dreg:$0x6]  }
0x8: {  	s7 =	sand.u32 $0x1, s4;
	s8 =	sshll.u32 s12, $0x1;
	s4 =	simm.s32 $0x0  }
0x9: {  	s11 =	smul.u32 $0x1900, s12;
	p0 =	seq.s32 s12, $0xF;
	s8 =	sor.u32 s7, s8  }
0xa: {  	s10 =	ssub.s32 $0x2, s7;
	[smem:$0x7FF] =	sst s4;
	s7 =	smul.u32 $0x186A0, s7  }
0xb: {  	s9 =	sshll.u32 s8, $0xD;
	s16 =	sshrl.u32 s10, $0x1;
	s8 =	smul.u32 $0x6400, s8  }
0xc: {  	s12 =	sadd.s32 $0xC80, s11;
	s17 =	sadd.s32 $0x640, s11;
	s14 =	sshrl.u32 s11, $0x3  }
0xd: {  	s5 =	sadd.s32 s9, s5;
	s9 =	ssub.s32 s10, s16;
	s12 =	simm.s32 @p0 $0x17A20  }
0xe: {  	s15 =	sadd.s32 s3, s14;
	s18 =	sshrl.u32 s17, $0x3;
	s16 =	sadd.s32 s11, s7  }
0xf: {  	s14 =	sadd.s32 s0, s14;
	s24 =	sadd.s32 s7, s17;
	s17 =	sadd.s32 s17, s20  }
0x10: {  	s10 =	simm.s32 $0x2;
	s13 =	sadd.s32 $0x640, s12;
	[dreg:$0x8] =	wrdreg s15  }
0x11: {  	[dreg:$0x9] =	wrdreg s14;
	s19 =	sadd.s32 s3, s18;
	s21 =	sshrl.u32 s16, $0x3  }
0x12: {  	s15 =	sadd.s32 s0, s18;
	s22 =	sshrl.u32 s12, $0x3;
	[dreg:$0xa] =	wrdreg s19  }
0x13: {  	s26 =	sadd.s32 s7, s12;
	[dreg:$0xb] =	wrdreg s15;
	s14 =	sadd.s32 s6, s21  }
0x14: {  	s16 =	sadd.s32 s11, s20;
	s23 =	sadd.s32 s3, s22;
	[dreg:$0xc] =	wrdreg s14  }
0x15: {  	s25 =	sshrl.u32 s13, $0x3;
	[dreg:$0xd] =	wrdreg s23;
	s14 =	sadd.s32 s0, s22  }
0x16: {  	s3 =	sadd.s32 s3, s25;
	[dreg:$0xe] =	wrdreg s14;
	s14 =	sshrl.u32 s24, $0x3  }
0x17: {  	s31 =	sshrl.u32 s26, $0x3;
	[dreg:$0x10] =	wrdreg s3;
	s14 =	sadd.s32 s6, s14  }
0x18: {  	s0 =	sadd.s32 s0, s25;
	[dreg:$0xf] =	wrdreg s14;
	s14 =	sadd.s32 s7, s13  }
0x19: {  	[dreg:$0x11] =	wrdreg s0;
	s3 =	sadd.s32 s6, s31;
	s0 =	sshrl.u32 s14, $0x3  }
0x1a: {  	s18 =	sshrl.u32 s8, $0x3;
	[dreg:$0x12] =	wrdreg s3;
	s0 =	sadd.s32 s6, s0  }
0x1b: {  	s28 =	sadd.s32 $0x800, s5;
	s29 =	sadd.s32 $0xC80, s8;
	[dreg:$0x13] =	wrdreg s0  }
0x1c: {  	s30 =	sadd.s32 $0x12C0, s8;
	_ =	strace $0x80000047;
	[dreg:$0x15] =	wrdreg s16  }
0x1d: {  	s5 =	simm.s32 $0x1AC70;
	s19 =	sadd.s32 s12, s20;
	[dreg:$0x16] =	wrdreg s17  }
0x1e: {  	s8 =	simm.s32 $0x1A5F0;
	s21 =	sadd.s32 s13, s20;
	[dreg:$0x17] =	wrdreg s19  }
0x1f: {  	s11 =	simm.s32 $0x4;
	s23 =	sadd.s32 s1, s18;
	[dreg:$0x18] =	wrdreg s21  }
0x20: {  	s22 =	sadd.s32 $0xC8, s18;
	s0 =	sadd.s32 s2, s18;
	[dreg:$0x19] =	wrdreg s23  }
0x21: {  	s15 =	sshrl.u32 s7, $0x3;
	s24 =	sadd.s32 s1, s22;
	[dreg:$0x1a] =	wrdreg s0  }
0x22: {  	s26 =	smax.u32 s9, $0x1;
	s25 =	sadd.s32 s2, s22;
	[dreg:$0x1b] =	wrdreg s24  }
0x23: {  	s9 =	simm.s32 $0x1B2F0;
	s12 =	simm.s32 $0x0;
	[dreg:$0x1c] =	wrdreg s25  }
.Ltmp0:
0x24: {  	s6 =	sadd.s32 s6, s15;
	[dreg:$0x1d] =	wrdreg s26;
	(pc) =	sbr.rel .LBB2_1-.Ltmp0, $4  }
0x25: {  	s7 =	simm.s32 $0x3;
	s31 =	sadd.s32 $0x186A, s6;
	[dreg:$0x14] =	wrdreg s6  }
0x26: {  	s13 =	simm.s32 $0x5;
	s15 =	simm.s32 $0x7;
	[dreg:$0x1e] =	wrdreg s31  }
0x27: {  	s0 =	simm.s32 $0x19F70;
	s6 =	simm.s32 $0x1;
	s17 =	simm.s32 $0x6  }
0x28: {  	v0 =	vimm.s32 $0x0;
	v1 =	vlaneseq.u32;
	s19 =	simm.s32 $0x1B970;
	s23 =	simm.s32 $0x80;
	s21 =	simm.s32 $0x1C970  }
.LBB2_40:
0x29: {  	s17 =	simm.s32 $0x6  }
0x2a: {  	_ =	swait.ge [sflag:s17], $0x1000  }
0x2b: {  	[sflag:s17] =	ssyncset.done $0x0  }
0x2c: {  	[sflag:s17] =	ssyncadd.s32 $0xFFFFF000  }
0x2d: {  	_ =	swait.ge [sflag:s15], $0x1000  }
0x2e: {  	s12 =	rddreg [dreg:$0x1f]  }
0x2f: {  	s3 =	rddreg [dreg:$0x1d];
	s12 =	sadd.s32 $0x1, s12  }
0x30: {  	p0 =	sne.s32 s12, s3  }
.Ltmp1:
0x31: {  	_ = 	snop;
	(pc) =	sbr.rel @!p0 .LBB2_41-.Ltmp1, $3  }
0x32: {  	_ =	sdelay $0x1  }
0x33: {  	[sflag:s15] =	ssyncset.done $0x0  }
0x34: {  	[sflag:s15] =	ssyncadd.s32 $0xFFFFF000  }
.LBB2_1:
0x35: {  	[tilespmem:$0x1D970] =	vst v0  }
0x36: {  	[tilespmem:$0x1D980] =	vst v0  }
0x37: {  	[tilespmem:$0x1D990] =	vst v0  }
0x38: {  	[tilespmem:$0x1D9A0] =	vst v0  }
0x39: {  	[tilespmem:$0x1D9B0] =	vst v0  }
0x3a: {  	[tilespmem:$0x1D9C0] =	vst v0  }
0x3b: {  	[tilespmem:$0x1D9D0] =	vst v0  }
0x3c: {  	[dreg:$0x1f] =	wrdreg s12;
	[tilespmem:$0x1D9E0] =	vst v0  }
0x3d: {  	_ =	strace $0x80000048  }
0x3e: {  	s3 =	rddreg [dreg:$0x8]  }
0x3f: {  	[tilespmem:s0], [sflag:$0x1] =	stream.linear.gather [hbm4b:s3+s4], $0x640, $0x200038;
	[tilespmem:$0x1DAF0] =	vst v63  }
0x40: {  	s22 =	rddreg [dreg:$0x9]  }
0x41: {  	[tilespmem:s5], [sflag:$0x3] =	stream.linear.gather [hbm4b:s22+s4], $0x640, $0x200038;
	[tilespmem:$0x1DAF0] =	vst v63  }
0x42: {  	_ =	swait.ge [sflag:s6], $0x640  }
0x43: {  	[sflag:s6] =	ssyncset.done $0x0  }
0x44: {  	[sflag:s6] =	ssyncadd.s32 $0xFFFFF9C0  }
0x45: {  	_ =	swait.ge [sflag:s7], $0x640  }
0x46: {  	[sflag:s7] =	ssyncset.done $0x0  }
0x47: {  	s24 =	rddreg [dreg:$0xa];
	[sflag:s7] =	ssyncadd.s32 $0xFFFFF9C0  }
0x48: {  	[tilespmem:s8], [sflag:$0x2] =	stream.linear.gather [hbm4b:s24+s4], $0x640, $0x200038;
	[tilespmem:$0x1DAF0] =	vst v63  }
0x49: {  	s26 =	simm.s32 $0x1AC80;
	s25 =	rddreg [dreg:$0xb]  }
0x4a: {  	[tilespmem:s9], [sflag:$0x4] =	stream.linear.gather [hbm4b:s25+s4], $0x640, $0x200038;
	[tilespmem:$0x1DAF0] =	vst v63  }
0x4b: {  	v2 =	vld [tilespmem:s26+$0x0]  }
0x4c: {  	v3 =	vld [tilespmem:s26+$0xFFFFFFF0];
	_ =	sdelay $0x3  }
0x4d: {  	v2 =	vmul.f32 $3.276800000e+04, v2  }
0x4e: {  	v3 =	vmul.f32 $3.276800000e+04, v3  }
0x4f: {  	s31 =	simm.s32 $0x1ACA0;
	v5 =	vtrunc.f32 v2  }
0x50: {  	v4 =	vld [tilespmem:s31+$0x0];
	v7 =	vtrunc.f32 v3;
	v8 =	vcvt.f32.s32 v5;
	vm0 =	vgt.f32 v2, v5  }
0x51: {  	s14 =	simm.s32 $0x19F80;
	v6 =	vld [tilespmem:s31+$0xFFFFFFF0];
	vm1 =	vgt.f32 v3, v7;
	v3 =	vsel vm0, $0x1, v0  }
0x52: {  	v2 =	vcvt.f32.s32 v7;
	v7 =	vadd.s32 v8, v3;
	v3 =	vld [tilespmem:s14+$0x0]  }
0x53: {  	v5 =	vsel vm1, $0x1, v0  }
0x54: {  	v8 =	vadd.s32 v2, v5;
	vm14 =	vlt.s32 v7, $0x7FFF  }
0x55: {  	v4 =	vmul.f32 $3.276800000e+04, v4;
	v2 =	vld [tilespmem:s14+$0xFFFFFFF0];
	vm15 =	vlt.s32 v8, $0x7FFF;
	v7 =	vnsel vm14, $0x7FFF, v7  }
0x56: {  	s16 =	simm.s32 $0x1ACC0;
	s12 =	simm.s32 $0x19F80;
	s3 =	simm.s32 $0x2;
	v5 =	vmul.f32 $3.276800000e+04, v6;
	v6 =	vnsel vm15, $0x7FFF, v8;
	v7 =	vshll.u32 v7, $0x11  }
.LBB2_2:
0x57: {  	v8 =	vld [tilespmem:s16+$0x0];
	s3 =	sadd.s32 $0x2, s3;
	v9 =	vtrunc.f32 v4;
	v6 =	vshll.u32 v6, $0x11;
	v3 =	vor.u32 v3, v7  }
0x58: {  	s12 =	sadd.s32 $0x20, s12;
	v7 =	vld [tilespmem:s16+$0xFFFFFFF0];
	p0 =	slt.u32 s3, $0x62;
	v10 =	vtrunc.f32 v5;
	v11 =	vcvt.f32.s32 v9;
	vm0 =	vgt.f32 v4, v9;
	[tilespmem:s14+$0x0] =	vst v3  }
.Ltmp2:
0x59: {  	v4 =	vcvt.f32.s32 v10;
	vm1 =	vgt.f32 v5, v10;
	v5 =	vsel vm0, $0x1, v0;
	v3 =	vld [tilespmem:s12+$0x0];
	(pc) =	sbr.rel @p0 .LBB2_2-.Ltmp2, $4  }
0x5a: {  	v6 =	vor.u32 v2, v6;
	v9 =	vsel vm1, $0x1, v0;
	v5 =	vadd.s32 v11, v5;
	v2 =	vld [tilespmem:s12+$0xFFFFFFF0]  }
0x5b: {  	v9 =	vadd.s32 v4, v9;
	vm0 =	vlt.s32 v5, $0x7FFF;
	[tilespmem:s14+$0xFFFFFFF0] =	vst v6;
	s14 =	smov.u32 s12  }
0x5c: {  	v4 =	vmul.f32 $3.276800000e+04, v8;
	vm1 =	vlt.s32 v9, $0x7FFF;
	v8 =	vnsel vm0, $0x7FFF, v5  }
0x5d: {  	s16 =	sadd.s32 $0x20, s16;
	v5 =	vmul.f32 $3.276800000e+04, v7;
	v6 =	vnsel vm1, $0x7FFF, v9;
	v7 =	vshll.u32 v8, $0x11  }
0x5e: {  	v8 =	vtrunc.f32 v4  }
0x5f: {  	s3 =	sadd.s32 $0x20, s12;
	v9 =	vtrunc.f32 v5;
	v10 =	vcvt.f32.s32 v8;
	vm0 =	vgt.f32 v4, v8  }
0x60: {  	v8 =	vld [tilespmem:s3+$0x0];
	v4 =	vcvt.f32.s32 v9;
	vm1 =	vgt.f32 v5, v9;
	v5 =	vsel vm0, $0x1, v0  }
0x61: {  	v63 =	vld [tilespmem:s3+$0xFFFFFFF0];
	v9 =	vsel vm1, $0x1, v0;
	v5 =	vadd.s32 v10, v5  }
0x62: {  	v3 =	vor.u32 v3, v7;
	v4 =	vadd.s32 v4, v9;
	vm10 =	vlt.s32 v5, $0x7FFF  }
0x63: {  	v6 =	vshll.u32 v6, $0x11;
	v5 =	vnsel vm10, $0x7FFF, v5;
	vm11 =	vlt.s32 v4, $0x7FFF  }
0x64: {  	[tilespmem:s14+$0x0] =	vst v3;
	v2 =	vor.u32 v2, v6;
	v3 =	vnsel vm11, $0x7FFF, v4;
	v4 =	vshll.u32 v5, $0x11  }
0x65: {  	[tilespmem:s14+$0xFFFFFFF0] =	vst v2;
	v2 =	vshll.u32 v3, $0x11;
	v3 =	vor.u32 v8, v4  }
0x66: {  	[tilespmem:s3+$0x0] =	vst v3;
	v2 =	vor.u32 v63, v2  }
0x67: {  	[tilespmem:s3+$0xFFFFFFF0] =	vst v2  }
0x68: {  	s3 =	rddreg [dreg:$0xc]  }
0x69: {  	[hbm4b:s3+s4] =	stream.linear.scatter [tilespmem:s0], [sflag:$0x6], $0x640, $0x200038;
	[tilespmem:$0x1DAF0] =	vst v63  }
0x6a: {  	s22 =	rddreg [dreg:$0x15]  }
0x6b: {  	[spmem:s22] =	stream.linear.scatter [tilespmem:s5], [sflag:$0x5], $0x640, $0x200038;
	[tilespmem:$0x1DAF0] =	vst v63  }
0x6c: {  	_ =	swait.ge [sflag:s10], $0x640  }
0x6d: {  	[sflag:s10] =	ssyncset.done $0x0  }
0x6e: {  	[sflag:s10] =	ssyncadd.s32 $0xFFFFF9C0  }
0x6f: {  	_ =	swait.ge [sflag:s11], $0x640  }
0x70: {  	[sflag:s11] =	ssyncset.done $0x0  }
0x71: {  	[sflag:s11] =	ssyncadd.s32 $0xFFFFF9C0  }
0x72: {  	_ =	swait.ge [sflag:s17], $0x640  }
0x73: {  	[sflag:s17] =	ssyncset.done $0x0  }
0x74: {  	[sflag:s17] =	ssyncadd.s32 $0xFFFFF9C0  }
0x75: {  	_ =	swait.ge [sflag:s13], $0x640  }
0x76: {  	[sflag:s13] =	ssyncset.done $0x0  }
0x77: {  	s24 =	rddreg [dreg:$0xd];
	[sflag:s13] =	ssyncadd.s32 $0xFFFFF9C0  }
0x78: {  	[tilespmem:s0], [sflag:$0x1] =	stream.linear.gather [hbm4b:s24+s4], $0x640, $0x200038;
	[tilespmem:$0x1DAF0] =	vst v63  }
0x79: {  	s26 =	simm.s32 $0x1B300;
	s25 =	rddreg [dreg:$0xe]  }
0x7a: {  	[tilespmem:s5], [sflag:$0x3] =	stream.linear.gather [hbm4b:s25+s4], $0x640, $0x200038;
	[tilespmem:$0x1DAF0] =	vst v63  }
0x7b: {  	v2 =	vld [tilespmem:s26+$0x0]  }
0x7c: {  	v3 =	vld [tilespmem:s26+$0xFFFFFFF0];
	_ =	sdelay $0x3  }
0x7d: {  	v2 =	vmul.f32 $3.276800000e+04, v2  }
0x7e: {  	v3 =	vmul.f32 $3.276800000e+04, v3  }
0x7f: {  	s31 =	simm.s32 $0x1B320;
	v5 =	vtrunc.f32 v2  }
0x80: {  	v4 =	vld [tilespmem:s31+$0x0];
	v7 =	vtrunc.f32 v3;
	v8 =	vcvt.f32.s32 v5;
	vm12 =	vgt.f32 v2, v5  }
0x81: {  	s14 =	simm.s32 $0x1A600;
	v6 =	vld [tilespmem:s31+$0xFFFFFFF0];
	vm13 =	vgt.f32 v3, v7;
	v3 =	vsel vm12, $0x1, v0  }
0x82: {  	v2 =	vcvt.f32.s32 v7;
	v7 =	vadd.s32 v8, v3;
	v3 =	vld [tilespmem:s14+$0x0]  }
0x83: {  	v5 =	vsel vm13, $0x1, v0  }
0x84: {  	v8 =	vadd.s32 v2, v5;
	vm14 =	vlt.s32 v7, $0x7FFF  }
0x85: {  	v4 =	vmul.f32 $3.276800000e+04, v4;
	v2 =	vld [tilespmem:s14+$0xFFFFFFF0];
	vm15 =	vlt.s32 v8, $0x7FFF;
	v7 =	vnsel vm14, $0x7FFF, v7  }
0x86: {  	s16 =	simm.s32 $0x1B340;
	s12 =	simm.s32 $0x1A600;
	s3 =	simm.s32 $0x2;
	v5 =	vmul.f32 $3.276800000e+04, v6;
	v6 =	vnsel vm15, $0x7FFF, v8;
	v7 =	vshll.u32 v7, $0x11  }
.LBB2_4:
0x87: {  	v8 =	vld [tilespmem:s16+$0x0];
	s3 =	sadd.s32 $0x2, s3;
	v9 =	vtrunc.f32 v4;
	v6 =	vshll.u32 v6, $0x11;
	v3 =	vor.u32 v3, v7  }
0x88: {  	s12 =	sadd.s32 $0x20, s12;
	v7 =	vld [tilespmem:s16+$0xFFFFFFF0];
	p0 =	slt.u32 s3, $0x62;
	v10 =	vtrunc.f32 v5;
	v11 =	vcvt.f32.s32 v9;
	vm0 =	vgt.f32 v4, v9;
	[tilespmem:s14+$0x0] =	vst v3  }
.Ltmp3:
0x89: {  	v4 =	vcvt.f32.s32 v10;
	vm1 =	vgt.f32 v5, v10;
	v5 =	vsel vm0, $0x1, v0;
	v3 =	vld [tilespmem:s12+$0x0];
	(pc) =	sbr.rel @p0 .LBB2_4-.Ltmp3, $4  }
0x8a: {  	v6 =	vor.u32 v2, v6;
	v9 =	vsel vm1, $0x1, v0;
	v5 =	vadd.s32 v11, v5;
	v2 =	vld [tilespmem:s12+$0xFFFFFFF0]  }
0x8b: {  	v9 =	vadd.s32 v4, v9;
	vm0 =	vlt.s32 v5, $0x7FFF;
	[tilespmem:s14+$0xFFFFFFF0] =	vst v6;
	s14 =	smov.u32 s12  }
0x8c: {  	v4 =	vmul.f32 $3.276800000e+04, v8;
	vm1 =	vlt.s32 v9, $0x7FFF;
	v8 =	vnsel vm0, $0x7FFF, v5  }
0x8d: {  	s16 =	sadd.s32 $0x20, s16;
	v5 =	vmul.f32 $3.276800000e+04, v7;
	v6 =	vnsel vm1, $0x7FFF, v9;
	v7 =	vshll.u32 v8, $0x11  }
0x8e: {  	v8 =	vtrunc.f32 v4  }
0x8f: {  	s3 =	sadd.s32 $0x20, s12;
	v9 =	vtrunc.f32 v5;
	v10 =	vcvt.f32.s32 v8;
	vm0 =	vgt.f32 v4, v8  }
0x90: {  	v8 =	vld [tilespmem:s3+$0x0];
	v4 =	vcvt.f32.s32 v9;
	vm1 =	vgt.f32 v5, v9;
	v5 =	vsel vm0, $0x1, v0  }
0x91: {  	v63 =	vld [tilespmem:s3+$0xFFFFFFF0];
	v9 =	vsel vm1, $0x1, v0;
	v5 =	vadd.s32 v10, v5  }
0x92: {  	v3 =	vor.u32 v3, v7;
	v4 =	vadd.s32 v4, v9;
	vm10 =	vlt.s32 v5, $0x7FFF  }
0x93: {  	v6 =	vshll.u32 v6, $0x11;
	v5 =	vnsel vm10, $0x7FFF, v5;
	vm11 =	vlt.s32 v4, $0x7FFF  }
0x94: {  	[tilespmem:s14+$0x0] =	vst v3;
	v2 =	vor.u32 v2, v6;
	v3 =	vnsel vm11, $0x7FFF, v4;
	v4 =	vshll.u32 v5, $0x11  }
0x95: {  	[tilespmem:s14+$0xFFFFFFF0] =	vst v2;
	v2 =	vshll.u32 v3, $0x11;
	v3 =	vor.u32 v8, v4  }
0x96: {  	[tilespmem:s3+$0x0] =	vst v3;
	v2 =	vor.u32 v63, v2  }
0x97: {  	[tilespmem:s3+$0xFFFFFFF0] =	vst v2  }
0x98: {  	s3 =	rddreg [dreg:$0xf]  }
0x99: {  	[hbm4b:s3+s4] =	stream.linear.scatter [tilespmem:s8], [sflag:$0x7], $0x640, $0x200038;
	[tilespmem:$0x1DAF0] =	vst v63  }
0x9a: {  	s22 =	rddreg [dreg:$0x16]  }
0x9b: {  	[spmem:s22] =	stream.linear.scatter [tilespmem:s9], [sflag:$0x5], $0x640, $0x200038;
	[tilespmem:$0x1DAF0] =	vst v63  }
0x9c: {  	_ =	swait.ge [sflag:s6], $0x640  }
0x9d: {  	[sflag:s6] =	ssyncset.done $0x0  }
0x9e: {  	[sflag:s6] =	ssyncadd.s32 $0xFFFFF9C0  }
0x9f: {  	_ =	swait.ge [sflag:s7], $0x640  }
0xa0: {  	[sflag:s7] =	ssyncset.done $0x0  }
0xa1: {  	[sflag:s7] =	ssyncadd.s32 $0xFFFFF9C0  }
0xa2: {  	_ =	swait.ge [sflag:s15], $0x640  }
0xa3: {  	[sflag:s15] =	ssyncset.done $0x0  }
0xa4: {  	[sflag:s15] =	ssyncadd.s32 $0xFFFFF9C0  }
0xa5: {  	_ =	swait.ge [sflag:s13], $0x640  }
0xa6: {  	[sflag:s13] =	ssyncset.done $0x0  }
0xa7: {  	s24 =	rddreg [dreg:$0x10];
	[sflag:s13] =	ssyncadd.s32 $0xFFFFF9C0  }
0xa8: {  	[tilespmem:s8], [sflag:$0x2] =	stream.linear.gather [hbm4b:s24+s4], $0x640, $0x200038;
	[tilespmem:$0x1DAF0] =	vst v63  }
0xa9: {  	s26 =	simm.s32 $0x1AC80;
	s25 =	rddreg [dreg:$0x11]  }
0xaa: {  	[tilespmem:s9], [sflag:$0x4] =	stream.linear.gather [hbm4b:s25+s4], $0x640, $0x200038;
	[tilespmem:$0x1DAF0] =	vst v63  }
0xab: {  	v2 =	vld [tilespmem:s26+$0x0]  }
0xac: {  	v3 =	vld [tilespmem:s26+$0xFFFFFFF0];
	_ =	sdelay $0x3  }
0xad: {  	v2 =	vmul.f32 $3.276800000e+04, v2  }
0xae: {  	v3 =	vmul.f32 $3.276800000e+04, v3  }
0xaf: {  	s31 =	simm.s32 $0x1ACA0;
	v5 =	vtrunc.f32 v2  }
0xb0: {  	v4 =	vld [tilespmem:s31+$0x0];
	v7 =	vtrunc.f32 v3;
	v8 =	vcvt.f32.s32 v5;
	vm12 =	vgt.f32 v2, v5  }
0xb1: {  	s14 =	simm.s32 $0x19F80;
	v6 =	vld [tilespmem:s31+$0xFFFFFFF0];
	vm13 =	vgt.f32 v3, v7;
	v3 =	vsel vm12, $0x1, v0  }
0xb2: {  	v2 =	vcvt.f32.s32 v7;
	v7 =	vadd.s32 v8, v3;
	v3 =	vld [tilespmem:s14+$0x0]  }
0xb3: {  	v5 =	vsel vm13, $0x1, v0  }
0xb4: {  	v8 =	vadd.s32 v2, v5;
	vm14 =	vlt.s32 v7, $0x7FFF  }
0xb5: {  	v4 =	vmul.f32 $3.276800000e+04, v4;
	v2 =	vld [tilespmem:s14+$0xFFFFFFF0];
	vm15 =	vlt.s32 v8, $0x7FFF;
	v7 =	vnsel vm14, $0x7FFF, v7  }
0xb6: {  	s16 =	simm.s32 $0x1ACC0;
	s12 =	simm.s32 $0x19F80;
	s3 =	simm.s32 $0x2;
	v5 =	vmul.f32 $3.276800000e+04, v6;
	v6 =	vnsel vm15, $0x7FFF, v8;
	v7 =	vshll.u32 v7, $0x11  }
.LBB2_6:
0xb7: {  	v8 =	vld [tilespmem:s16+$0x0];
	s3 =	sadd.s32 $0x2, s3;
	v9 =	vtrunc.f32 v4;
	v6 =	vshll.u32 v6, $0x11;
	v3 =	vor.u32 v3, v7  }
0xb8: {  	s12 =	sadd.s32 $0x20, s12;
	v7 =	vld [tilespmem:s16+$0xFFFFFFF0];
	p0 =	slt.u32 s3, $0x62;
	v10 =	vtrunc.f32 v5;
	v11 =	vcvt.f32.s32 v9;
	vm0 =	vgt.f32 v4, v9;
	[tilespmem:s14+$0x0] =	vst v3  }
.Ltmp4:
0xb9: {  	v4 =	vcvt.f32.s32 v10;
	vm1 =	vgt.f32 v5, v10;
	v5 =	vsel vm0, $0x1, v0;
	v3 =	vld [tilespmem:s12+$0x0];
	(pc) =	sbr.rel @p0 .LBB2_6-.Ltmp4, $4  }
0xba: {  	v6 =	vor.u32 v2, v6;
	v9 =	vsel vm1, $0x1, v0;
	v5 =	vadd.s32 v11, v5;
	v2 =	vld [tilespmem:s12+$0xFFFFFFF0]  }
0xbb: {  	v9 =	vadd.s32 v4, v9;
	vm0 =	vlt.s32 v5, $0x7FFF;
	[tilespmem:s14+$0xFFFFFFF0] =	vst v6;
	s14 =	smov.u32 s12  }
0xbc: {  	v4 =	vmul.f32 $3.276800000e+04, v8;
	vm1 =	vlt.s32 v9, $0x7FFF;
	v8 =	vnsel vm0, $0x7FFF, v5  }
0xbd: {  	s16 =	sadd.s32 $0x20, s16;
	v5 =	vmul.f32 $3.276800000e+04, v7;
	v6 =	vnsel vm1, $0x7FFF, v9;
	v7 =	vshll.u32 v8, $0x11  }
0xbe: {  	v8 =	vtrunc.f32 v4  }
0xbf: {  	s3 =	sadd.s32 $0x20, s12;
	v9 =	vtrunc.f32 v5;
	v10 =	vcvt.f32.s32 v8;
	vm0 =	vgt.f32 v4, v8  }
0xc0: {  	v8 =	vld [tilespmem:s3+$0x0];
	v4 =	vcvt.f32.s32 v9;
	vm1 =	vgt.f32 v5, v9;
	v5 =	vsel vm0, $0x1, v0  }
0xc1: {  	v63 =	vld [tilespmem:s3+$0xFFFFFFF0];
	v9 =	vsel vm1, $0x1, v0;
	v5 =	vadd.s32 v10, v5  }
0xc2: {  	v3 =	vor.u32 v3, v7;
	v4 =	vadd.s32 v4, v9;
	vm10 =	vlt.s32 v5, $0x7FFF  }
0xc3: {  	v6 =	vshll.u32 v6, $0x11;
	v5 =	vnsel vm10, $0x7FFF, v5;
	vm11 =	vlt.s32 v4, $0x7FFF  }
0xc4: {  	[tilespmem:s14+$0x0] =	vst v3;
	v2 =	vor.u32 v2, v6;
	v3 =	vnsel vm11, $0x7FFF, v4;
	v4 =	vshll.u32 v5, $0x11  }
0xc5: {  	[tilespmem:s14+$0xFFFFFFF0] =	vst v2;
	v2 =	vshll.u32 v3, $0x11;
	v3 =	vor.u32 v8, v4  }
0xc6: {  	[tilespmem:s3+$0x0] =	vst v3;
	v2 =	vor.u32 v63, v2  }
0xc7: {  	[tilespmem:s3+$0xFFFFFFF0] =	vst v2  }
0xc8: {  	s3 =	rddreg [dreg:$0x12]  }
0xc9: {  	[hbm4b:s3+s4] =	stream.linear.scatter [tilespmem:s0], [sflag:$0x6], $0x640, $0x200038;
	[tilespmem:$0x1DAF0] =	vst v63  }
0xca: {  	s25 =	rddreg [dreg:$0x17]  }
0xcb: {  	[spmem:s25] =	stream.linear.scatter [tilespmem:s5], [sflag:$0x5], $0x640, $0x200038;
	[tilespmem:$0x1DAF0] =	vst v63  }
0xcc: {  	_ =	swait.ge [sflag:s10], $0x640  }
0xcd: {  	[sflag:s10] =	ssyncset.done $0x0  }
0xce: {  	[sflag:s10] =	ssyncadd.s32 $0xFFFFF9C0  }
0xcf: {  	_ =	swait.ge [sflag:s11], $0x640  }
0xd0: {  	[sflag:s11] =	ssyncset.done $0x0  }
0xd1: {  	s26 =	simm.s32 $0x1B300;
	[sflag:s11] =	ssyncadd.s32 $0xFFFFF9C0  }
0xd2: {  	v2 =	vld [tilespmem:s26+$0x0]  }
0xd3: {  	v3 =	vld [tilespmem:s26+$0xFFFFFFF0];
	_ =	sdelay $0x3  }
0xd4: {  	v2 =	vmul.f32 $3.276800000e+04, v2  }
0xd5: {  	v3 =	vmul.f32 $3.276800000e+04, v3  }
0xd6: {  	s31 =	simm.s32 $0x1B320;
	v5 =	vtrunc.f32 v2  }
0xd7: {  	v4 =	vld [tilespmem:s31+$0x0];
	v7 =	vtrunc.f32 v3;
	v8 =	vcvt.f32.s32 v5;
	vm12 =	vgt.f32 v2, v5  }
0xd8: {  	s14 =	simm.s32 $0x1A600;
	v6 =	vld [tilespmem:s31+$0xFFFFFFF0];
	vm13 =	vgt.f32 v3, v7;
	v3 =	vsel vm12, $0x1, v0  }
0xd9: {  	v2 =	vcvt.f32.s32 v7;
	v7 =	vadd.s32 v8, v3;
	v3 =	vld [tilespmem:s14+$0x0]  }
0xda: {  	v5 =	vsel vm13, $0x1, v0  }
0xdb: {  	v8 =	vadd.s32 v2, v5;
	vm14 =	vlt.s32 v7, $0x7FFF  }
0xdc: {  	v4 =	vmul.f32 $3.276800000e+04, v4;
	v2 =	vld [tilespmem:s14+$0xFFFFFFF0];
	vm15 =	vlt.s32 v8, $0x7FFF;
	v7 =	vnsel vm14, $0x7FFF, v7  }
0xdd: {  	s16 =	simm.s32 $0x1B340;
	s12 =	simm.s32 $0x1A600;
	s3 =	simm.s32 $0x2;
	v5 =	vmul.f32 $3.276800000e+04, v6;
	v6 =	vnsel vm15, $0x7FFF, v8;
	v7 =	vshll.u32 v7, $0x11  }
.LBB2_8:
0xde: {  	v8 =	vld [tilespmem:s16+$0x0];
	s3 =	sadd.s32 $0x2, s3;
	v9 =	vtrunc.f32 v4;
	v6 =	vshll.u32 v6, $0x11;
	v3 =	vor.u32 v3, v7  }
0xdf: {  	s12 =	sadd.s32 $0x20, s12;
	v7 =	vld [tilespmem:s16+$0xFFFFFFF0];
	p0 =	slt.u32 s3, $0x62;
	v10 =	vtrunc.f32 v5;
	v11 =	vcvt.f32.s32 v9;
	vm0 =	vgt.f32 v4, v9;
	[tilespmem:s14+$0x0] =	vst v3  }
.Ltmp5:
0xe0: {  	v4 =	vcvt.f32.s32 v10;
	vm1 =	vgt.f32 v5, v10;
	v5 =	vsel vm0, $0x1, v0;
	v3 =	vld [tilespmem:s12+$0x0];
	(pc) =	sbr.rel @p0 .LBB2_8-.Ltmp5, $4  }
0xe1: {  	v6 =	vor.u32 v2, v6;
	v9 =	vsel vm1, $0x1, v0;
	v5 =	vadd.s32 v11, v5;
	v2 =	vld [tilespmem:s12+$0xFFFFFFF0]  }
0xe2: {  	v9 =	vadd.s32 v4, v9;
	vm0 =	vlt.s32 v5, $0x7FFF;
	[tilespmem:s14+$0xFFFFFFF0] =	vst v6;
	s14 =	smov.u32 s12  }
0xe3: {  	v4 =	vmul.f32 $3.276800000e+04, v8;
	vm1 =	vlt.s32 v9, $0x7FFF;
	v8 =	vnsel vm0, $0x7FFF, v5  }
0xe4: {  	s16 =	sadd.s32 $0x20, s16;
	v5 =	vmul.f32 $3.276800000e+04, v7;
	v6 =	vnsel vm1, $0x7FFF, v9;
	v7 =	vshll.u32 v8, $0x11  }
0xe5: {  	v8 =	vtrunc.f32 v4  }
0xe6: {  	s3 =	sadd.s32 $0x20, s12;
	v9 =	vtrunc.f32 v5;
	v10 =	vcvt.f32.s32 v8;
	vm0 =	vgt.f32 v4, v8  }
0xe7: {  	v61 =	vld [tilespmem:s3+$0x0];
	v59 =	vcvt.f32.s32 v9;
	vm1 =	vgt.f32 v5, v9;
	v60 =	vsel vm0, $0x1, v0  }
0xe8: {  	v62 =	vld [tilespmem:s3+$0xFFFFFFF0];
	v9 =	vsel vm1, $0x1, v0;
	v5 =	vadd.s32 v10, v60  }
0xe9: {  	v3 =	vor.u32 v3, v7;
	v4 =	vadd.s32 v59, v9;
	vm14 =	vlt.s32 v5, $0x7FFF  }
0xea: {  	v6 =	vshll.u32 v6, $0x11;
	v5 =	vnsel vm14, $0x7FFF, v5;
	vm15 =	vlt.s32 v4, $0x7FFF  }
0xeb: {  	[tilespmem:s14+$0x0] =	vst v3;
	v2 =	vor.u32 v2, v6;
	v3 =	vnsel vm15, $0x7FFF, v4;
	v63 =	vshll.u32 v5, $0x11  }
0xec: {  	[tilespmem:s14+$0xFFFFFFF0] =	vst v2;
	v2 =	vshll.u32 v3, $0x11;
	v3 =	vor.u32 v61, v63  }
0xed: {  	[tilespmem:s3+$0x0] =	vst v3;
	v2 =	vor.u32 v62, v2  }
0xee: {  	[tilespmem:s3+$0xFFFFFFF0] =	vst v2  }
0xef: {  	s22 =	simm.s32 $0x0;
	s3 =	rddreg [dreg:$0x13]  }
0xf0: {  	[hbm4b:s3+s22] =	stream.linear.scatter [tilespmem:s8], [sflag:$0x7], $0x640, $0x200038;
	[tilespmem:$0x1DAF0] =	vst v63  }
0xf1: {  	s31 =	rddreg [dreg:$0x18]  }
0xf2: {  	[spmem:s31] =	stream.linear.scatter [tilespmem:s9], [sflag:$0x5], $0x640, $0x200038;
	[tilespmem:$0x1DAF0] =	vst v63  }
0xf3: {  	_ =	swait.ge [sflag:s17], $0x640  }
0xf4: {  	[sflag:s17] =	ssyncset.done $0x0  }
0xf5: {  	[sflag:s17] =	ssyncadd.s32 $0xFFFFF9C0  }
0xf6: {  	_ =	swait.ge [sflag:s13], $0x640  }
0xf7: {  	[sflag:s13] =	ssyncset.done $0x0  }
0xf8: {  	[sflag:s13] =	ssyncadd.s32 $0xFFFFF9C0  }
0xf9: {  	_ =	swait.ge [sflag:s15], $0x640  }
0xfa: {  	[sflag:s15] =	ssyncset.done $0x0  }
0xfb: {  	[sflag:s15] =	ssyncadd.s32 $0xFFFFF9C0  }
0xfc: {  	_ =	swait.ge [sflag:s13], $0x640  }
0xfd: {  	[sflag:s13] =	ssyncset.done $0x0  }
0xfe: {  	[sflag:s13] =	ssyncadd.s32 $0xFFFFF9C0  }
0xff: {  	[bflag:$0x0] =	sbarrier.arrive $0xFFFF  }
0x100: {  	_ =	strace $0x90000048  }
0x101: {  	s12 =	rddreg [dreg:$0x19]  }
0x102: {  	[tilespmem:s0], [sflag:$0x1] =	stream.linear.gather [hbm4b:s12+s22], $0x640, $0x38;
	[tilespmem:$0x1DAF0] =	vst v63  }
0x103: {  	s14 =	rddreg [dreg:$0x1a]  }
0x104: {  	[tilespmem:s5], [sflag:$0x3] =	stream.linear.gather [hbm4b:s14+s22], $0x640, $0x38;
	[tilespmem:$0x1DAF0] =	vst v63  }
0x105: {  	s16 =	rddreg [dreg:$0x1b]  }
0x106: {  	[tilespmem:s8], [sflag:$0x2] =	stream.linear.gather [hbm4b:s16+s22], $0x640, $0x38;
	[tilespmem:$0x1DAF0] =	vst v63  }
0x107: {  	s17 =	rddreg [dreg:$0x1c]  }
0x108: {  	[tilespmem:s9], [sflag:$0x4] =	stream.linear.gather [hbm4b:s17+s22], $0x640, $0x38;
	[tilespmem:$0x1DAF0] =	vst v63  }
0x109: {  	_ =	strace $0x80000049  }
0x10a: {  	s18 =	rddreg [dreg:$0x14]  }
0x10b: {  	[tilespmem:s22], [sflag:$0x8] =	stream.linear.gather [hbm4b:s18+s22], $0xC350, $0x200038;
	[tilespmem:$0x1DAF0] =	vst v63  }
0x10c: {  	s25 =	simm.s32 $0xC350;
	s26 =	simm.s32 $0x8;
	s24 =	rddreg [dreg:$0x1e]  }
0x10d: {  	[tilespmem:s25], [sflag:$0x9] =	stream.linear.gather [hbm4b:s24+s22], $0xC350, $0x200038;
	[tilespmem:$0x1DAF0] =	vst v63  }
0x10e: {  	_ =	swait.ge [sflag:s26], $0xC350  }
0x10f: {  	[sflag:s26] =	ssyncset.done $0x0  }
0x110: {  	s31 =	simm.s32 $0x9;
	[sflag:s26] =	ssyncadd.s32 $0xFFFF3CB0  }
0x111: {  	_ =	swait.ge [sflag:s31], $0xC350  }
0x112: {  	[sflag:s31] =	ssyncset.done $0x0  }
0x113: {  	[sflag:s31] =	ssyncadd.s32 $0xFFFF3CB0  }
0x114: {  	s24 =	simm.s32 $0x0;
	_ =	strace $0x90000049  }
.LBB2_10:
0x115: {  	p0 =	seq.s32 s24, $0x0  }
0x116: {  	s3 =	simm.s32 @!p0 $0x6  }
0x117: {  	_ =	swait.ge @!p0 [sflag:s3], $0x1000  }
0x118: {  	[sflag:s3] =	ssyncset.done @!p0 $0x0  }
0x119: {  	[sflag:s3] =	ssyncadd.s32 @!p0 $0xFFFFF000  }
0x11a: {  	_ =	swait.ge [sflag:s6], $0x640  }
0x11b: {  	[sflag:s6] =	ssyncset.done $0x0  }
0x11c: {  	[sflag:s6] =	ssyncadd.s32 $0xFFFFF9C0  }
0x11d: {  	_ =	swait.ge [sflag:s7], $0x640  }
0x11e: {  	[sflag:s7] =	ssyncset.done $0x0  }
0x11f: {  	[sflag:s7] =	ssyncadd.s32 $0xFFFFF9C0  }
0x120: {  	s17 =	simm.s32 $0x19F90;
	_ =	strace $0x8000004A  }
0x121: {  	v3 =	vld [tilespmem:s17+$0x10]  }
0x122: {  	v4 =	vld [tilespmem:s17+$0x0]  }
0x123: {  	v6 =	vld [tilespmem:s17+$0xFFFFFFF0]  }
0x124: {  	s25 =	simm.s32 $0x1AC90;
	v2 =	vld [tilespmem:s17+$0xFFFFFFE0]  }
0x125: {  	v7 =	vld [tilespmem:s25+$0x10]  }
0x126: {  	v10 =	vld [tilespmem:s25+$0x0]  }
0x127: {  	v11 =	vld [tilespmem:s25+$0xFFFFFFF0]  }
0x128: {  	v12 =	vld [tilespmem:s25+$0xFFFFFFE0];
	_ =	sdelay $0x1  }
0x129: {  	v20 =	vlaneseq.u32;
	v21 =	vimm.s32 $0x640;
	v22 =	vimm.s32 $0x0  }
0x12a: {  	v17 =	vmov s22;
	v9 =	vand.u32 $0xFFFFFF80, v20;
	v13 =	vshll.u32 v22, $0x7;
	v5 =	vld.idx.msk [tilespmem:v3+s4+$0x0], $0xffff  }
0x12b: {  	v14 =	vand.u32 $0x7F, v20;
	v15 =	vmul.f32 $3.276800000e+04, v10;
	v16 =	vmul.f32 $3.276800000e+04, v7;
	v8 =	vld.idx.msk [tilespmem:v4+s4+$0x0], $0xffff  }
0x12c: {  	v13 =	vadd.s32 v13, v9;
	v12 =	vmul.f32 $3.276800000e+04, v12;
	v11 =	vmul.f32 $3.276800000e+04, v11;
	v9 =	vld.idx.msk [tilespmem:v6+s4+$0x0], $0xffff  }
0x12d: {  	s14 =	simm.s32 $0x3;
	v7 =	vor.u32 v14, v13;
	v13 =	vtrunc.f32 v15;
	v14 =	vtrunc.f32 v16;
	v10 =	vld.idx.msk [tilespmem:v2+s4+$0x0], $0xffff  }
0x12e: {  	s26 =	simm.s32 $0x4;
	v23 =	vmov s14;
	v15 =	vtrunc.f32 v12;
	v16 =	vtrunc.f32 v11  }
0x12f: {  	s18 =	simm.s32 $0x1;
	v24 =	vmov s26;
	v12 =	vcvt.f32.s32 v13;
	v11 =	vcvt.f32.s32 v14  }
0x130: {  	v29 =	vmov s18;
	v15 =	vcvt.f32.s32 v15;
	v14 =	vcvt.f32.s32 v16  }
0x131: {  	v13 =	vshrl.u32 v5, $0x11;
	v18 =	vshrl.u32 v9, $0x11;
	v16 =	vshrl.u32 v8, $0x11  }
0x132: {  	v19 =	vshrl.u32 v10, $0x11;
	v25 =	vsub.s32 v14, v18;
	v26 =	vsub.s32 v12, v16  }
0x133: {  	v27 =	vsub.s32 v11, v13;
	v28 =	vsub.s32 v15, v19;
	v26 =	vadd.s32 $0x1, v26  }
0x134: {  	v27 =	vadd.s32 $0x1, v27;
	v28 =	vadd.s32 $0x1, v28;
	v25 =	vadd.s32 $0x1, v25  }
0x135: {  	vm0 =	vlt.u32 v27, $0x2;
	vm1 =	vlt.u32 v25, $0x2;
	vm2 =	vlt.u32 v26, $0x2  }
0x136: {  	s12 =	simm.s32 $0x2;
	vm14 =	vlt.u32 v28, $0x2;
	v26 =	vmpcnt.ones.xlane vm1;
	v27 =	vmpcnt.ones.xlane vm2  }
0x137: {  	v30 =	vmov s12;
	v25 =	vmpcnt.ones.xlane vm0;
	v28 =	vmpcnt.ones.xlane vm14  }
0x138: {  	vm4 =	vgt.s32 v22, s18;
	vm1 =	vgt.s32 v26, $0x0;
	vm15 =	vgt.s32 v27, $0x0  }
0x139: {  	vm7 =	vgt.s32 v25, $0x0;
	v31 =	vadd.s32 v22, v28;
	vm3 =	vgt.s32 v28, $0x0  }
0x13a: {  	v23 =	vnsel vm7, $0x640, v23;
	v26 =	vadd.s32 v26, v31;
	v28 =	vnsel vm15, $0x640, v30  }
0x13b: {  	v30 =	vnsel vm7, $0x0, v24;
	v24 =	vnsel vm3, $0x640, v17;
	v29 =	vnsel vm1, $0x640, v29  }
0x13c: {  	v17 =	vadd.s32 v27, v26;
	vm8 =	vlt.s32 v21, v24;
	v26 =	vadd.s32 $0x10, v20  }
0x13d: {  	v20 =	vadd.s32 $0xFFFFFFDE, v20;
	v17 =	vadd.s32 v25, v17;
	vm5 =	vgt.s32 v26, $0x31  }
0x13e: {  	v21 =	vsel vm8, v21, v24;
	v25 =	vnsel vm4, s18, v22;
	v24 =	vsel vm5, v20, v26  }
0x13f: {  	v20 =	vsel vm3, v25, v22;
	vm2 =	vlt.s32 v21, v29;
	v25 =	vadd.s32 $0x10, v24  }
0x140: {  	vm3 =	vgt.s32 v20, s12;
	v26 =	vadd.s32 $0xFFFFFFDE, v24;
	v21 =	vsel vm2, v21, v29  }
0x141: {  	vm9 =	vgt.s32 v25, $0x31;
	v27 =	vnsel vm3, s12, v20;
	vm10 =	vlt.s32 v21, v28  }
0x142: {  	v25 =	vsel vm9, v26, v25;
	v20 =	vsel vm1, v27, v20;
	v21 =	vsel vm10, v21, v28  }
0x143: {  	v29 =	vsel vm9, $0x1, v0;
	v26 =	vadd.s32 $0x10, v25;
	vm11 =	vgt.s32 v20, s14  }
0x144: {  	v27 =	vadd.s32 $0xFFFFFFDE, v25;
	vm12 =	vgt.s32 v26, $0x31;
	v28 =	vnsel vm11, s14, v20  }
0x145: {  	vm13 =	vlt.s32 v21, v23;
	v26 =	vsel vm12, v27, v26;
	v20 =	vsel vm15, v28, v20  }
0x146: {  	v21 =	vsel vm13, v21, v23;
	v27 =	vadd.s32 $0x10, v26;
	vm14 =	vgt.s32 v20, v30  }
0x147: {  	v28 =	vadd.s32 $0xFFFFFFDE, v26;
	vm15 =	vgt.s32 v27, $0x31;
	v20 =	vsel vm14, v20, v30  }
0x148: {  	v23 =	vsel vm15, v28, v27;
	v27 =	vsel vm5, $0x1, v0;
	v28 =	vsel vm12, $0x1, v0  }
0x149: {  	s31 =	simm.s32 $0x19FD0;
	v30 =	vadd.s32 v27, v22;
	v27 =	vand.u32 $0xFFFFFF80, v26;
	v22 =	vsel vm15, $0x1, v0  }
.LBB2_11:
0x14a: {  	v31 =	vld [tilespmem:s31+$0x10];
	v32 =	vshll.u32 v30, $0x7;
	v29 =	vadd.s32 v29, v30;
	v30 =	vand.u32 $0xFFFFFF80, v25;
	s14 =	smov.u32 s26  }
0x14b: {  	v34 =	vand.u32 $0xFFFFFF80, v24;
	v33 =	vld [tilespmem:s31+$0x0];
	v35 =	vshll.u32 v29, $0x7;
	v28 =	vadd.s32 v28, v29  }
0x14c: {  	v29 =	vand.u32 $0xFFFFFF80, v23;
	v36 =	vld [tilespmem:s31+$0xFFFFFFF0];
	v37 =	vshll.u32 v28, $0x7;
	v22 =	vadd.s32 v22, v28  }
0x14d: {  	vm0 =	vlt.s32 v15, v19;
	vm1 =	vlt.s32 v14, v18;
	s25 =	sadd.s32 $0x40, s25;
	v28 =	vld [tilespmem:s31+$0xFFFFFFE0];
	v38 =	vshll.u32 v22, $0x7  }
0x14e: {  	vm2 =	vlt.s32 v12, v16;
	vm3 =	vlt.s32 v11, v13;
	v11 =	vadd.s32 v27, v37;
	v14 =	vld [tilespmem:s25+$0x10]  }
0x14f: {  	v10 =	vand.u32 $0x1FFFF, v10;
	v9 =	vand.u32 $0x1FFFF, v9;
	v13 =	vand.u32 $0x1FFFF, v8;
	v12 =	vld [tilespmem:s25+$0x0]  }
0x150: {  	v18 =	vand.u32 $0x1FFFF, v5;
	v19 =	vand.u32 $0x7F, v26;
	v16 =	vadd.s32 v30, v35;
	v15 =	vld [tilespmem:s25+$0xFFFFFFF0]  }
0x151: {  	v24 =	vand.u32 $0x7F, v24;
	v25 =	vand.u32 $0x7F, v25;
	v27 =	vadd.s32 v34, v32;
	v26 =	vld [tilespmem:s25+$0xFFFFFFE0]  }
0x152: {  	v30 =	vand.u32 $0x7F, v23;
	v32 =	vsel vm0, v2, v10;
	v29 =	vadd.s32 v38, v29;
	v5 =	vld.idx.msk [tilespmem:v31+s4+$0x0], $0xffff;
	v2 =	vmovc v28  }
0x153: {  	v35 =	vsel vm2, v4, v13;
	v34 =	vsel vm1, v6, v9;
	v37 =	vsel vm3, v3, v18;
	v8 =	vld.idx.msk [tilespmem:v33+s4+$0x0], $0xffff  }
0x154: {  	p0 =	slt.u32 s26, $0x60;
	v16 =	vor.u32 v25, v16;
	v13 =	vor.u32 v24, v27;
	v24 =	vor.u32 v19, v11;
	v9 =	vld.idx.msk [tilespmem:v36+s4+$0x0], $0xffff  }
0x155: {  	v11 =	vmul.f32 $3.276800000e+04, v12;
	v12 =	vmul.f32 $3.276800000e+04, v14;
	v10 =	vld.idx.msk [tilespmem:v28+s4+$0x0], $0xffff;
	[tilespmem:v7+s19+$0x0] =	vst.idx.msk $0xffff, v32;
	v7 =	vor.u32 v30, v29  }
0x156: {  	v3 =	vmovc v31;
	v4 =	vmovc v33;
	v6 =	vmov v36;
	v15 =	vmul.f32 $3.276800000e+04, v15;
	v14 =	vmul.f32 $3.276800000e+04, v26  }
0x157: {  	s18 =	sadd.s32 $0x3, s26;
	v25 =	vmov s26;
	v11 =	vtrunc.f32 v11;
	v18 =	vtrunc.f32 v12  }
0x158: {  	s26 =	sadd.s32 $0x4, s26;
	v26 =	vmov s18;
	v19 =	vtrunc.f32 v15;
	v14 =	vtrunc.f32 v14  }
0x159: {  	v27 =	vmov s26;
	v12 =	vcvt.f32.s32 v11;
	v11 =	vcvt.f32.s32 v18;
	[tilespmem:v13+s19+$0x0] =	vst.idx.msk $0xffff, v34  }
0x15a: {  	v15 =	vcvt.f32.s32 v14;
	v14 =	vcvt.f32.s32 v19;
	v13 =	vshrl.u32 v5, $0x11;
	[tilespmem:v16+s19+$0x0] =	vst.idx.msk $0xffff, v35  }
0x15b: {  	v18 =	vshrl.u32 v9, $0x11;
	v19 =	vshrl.u32 v10, $0x11;
	v16 =	vshrl.u32 v8, $0x11;
	[tilespmem:v24+s19+$0x0] =	vst.idx.msk $0xffff, v37  }
0x15c: {  	v29 =	vsub.s32 v11, v13;
	v24 =	vsub.s32 v14, v18;
	v28 =	vsub.s32 v12, v16  }
0x15d: {  	v30 =	vsub.s32 v15, v19;
	v29 =	vadd.s32 $0x1, v29;
	v28 =	vadd.s32 $0x1, v28  }
0x15e: {  	v30 =	vadd.s32 $0x1, v30;
	v24 =	vadd.s32 $0x1, v24;
	vm0 =	vlt.u32 v29, $0x2  }
0x15f: {  	vm1 =	vlt.u32 v24, $0x2;
	vm2 =	vlt.u32 v28, $0x2;
	v24 =	vmpcnt.ones.xlane vm0  }
0x160: {  	s3 =	sadd.s32 $0x1, s14;
	s12 =	sadd.s32 $0x2, s14;
	vm0 =	vlt.u32 v30, $0x2;
	v28 =	vmpcnt.ones.xlane vm1;
	v29 =	vmpcnt.ones.xlane vm2  }
0x161: {  	v31 =	vmov s3;
	v32 =	vmov s12;
	v30 =	vmpcnt.ones.xlane vm0  }
0x162: {  	vm1 =	vgt.s32 v24, $0x0;
	vm2 =	vgt.s32 v28, $0x0;
	vm0 =	vgt.s32 v29, $0x0  }
0x163: {  	v17 =	vadd.s32 v17, v30;
	vm3 =	vgt.s32 v30, $0x0;
	v30 =	vnsel vm1, $0x640, v26  }
0x164: {  	v27 =	vnsel vm1, $0x0, v27;
	v17 =	vadd.s32 v28, v17;
	v26 =	vnsel vm0, $0x640, v32  }
0x165: {  	v25 =	vnsel vm3, $0x640, v25;
	v28 =	vnsel vm2, $0x640, v31;
	v17 =	vadd.s32 v29, v17  }
0x166: {  	vm4 =	vlt.s32 v21, v25;
	v29 =	vadd.s32 $0x10, v23;
	v17 =	vadd.s32 v24, v17  }
0x167: {  	vm5 =	vgt.s32 v20, s3;
	v23 =	vadd.s32 $0xFFFFFFDE, v23;
	vm1 =	vgt.s32 v29, $0x31  }
0x168: {  	v21 =	vsel vm4, v21, v25;
	v25 =	vnsel vm5, s3, v20;
	v24 =	vsel vm1, v23, v29  }
0x169: {  	v20 =	vsel vm3, v25, v20;
	vm3 =	vlt.s32 v21, v28;
	v23 =	vadd.s32 $0x10, v24  }
0x16a: {  	vm4 =	vgt.s32 v20, s12;
	v25 =	vadd.s32 $0xFFFFFFDE, v24;
	vm5 =	vgt.s32 v23, $0x31  }
0x16b: {  	v21 =	vsel vm3, v21, v28;
	v28 =	vnsel vm4, s12, v20;
	v25 =	vsel vm5, v25, v23  }
0x16c: {  	v20 =	vsel vm2, v28, v20;
	vm2 =	vlt.s32 v21, v26;
	v23 =	vadd.s32 $0x10, v25  }
0x16d: {  	vm3 =	vgt.s32 v20, s18;
	v28 =	vadd.s32 $0xFFFFFFDE, v25;
	vm4 =	vgt.s32 v23, $0x31  }
0x16e: {  	v21 =	vsel vm2, v21, v26;
	v29 =	vnsel vm3, s18, v20;
	v26 =	vsel vm4, v28, v23  }
.Ltmp6:
0x16f: {  	v20 =	vsel vm0, v29, v20;
	vm0 =	vlt.s32 v21, v30;
	v23 =	vadd.s32 $0x10, v26;
	(pc) =	sbr.rel @p0 .LBB2_11-.Ltmp6, $4  }
0x170: {  	vm2 =	vgt.s32 v20, v27;
	v28 =	vadd.s32 $0xFFFFFFDE, v26;
	vm3 =	vgt.s32 v23, $0x31  }
0x171: {  	v21 =	vsel vm0, v21, v30;
	v20 =	vsel vm2, v20, v27;
	v23 =	vsel vm3, v28, v23  }
0x172: {  	v29 =	vsel vm5, $0x1, v0;
	v27 =	vsel vm1, $0x1, v0;
	v28 =	vsel vm4, $0x1, v0  }
0x173: {  	s31 =	sadd.s32 $0x40, s31;
	v30 =	vadd.s32 v27, v22;
	v27 =	vand.u32 $0xFFFFFF80, v26;
	v22 =	vsel vm3, $0x1, v0  }
0x174: {  	v17 =	vxor.u32 $0x80000000, v17  }
0x175: {  	(xrf0) =	vmax.scan.msk.u32 $0xffff, v17;
	_ =	sdelay $0x5  }
0x176: {  	v17, _, _ =	vpop (xrf0)  }
0x177: {  	(v2sf) =	vpush v17, $0xF;
	_ =	sdelay $0x9  }
0x178: {  	v58 =	vshll.u32 v30, $0x7;
	v22 =	vadd.s32 v29, v30;
	v23 =	vand.u32 $0xFFFFFF80, v25  }
0x179: {  	v59 =	vand.u32 $0xFFFFFF80, v24;
	v30 =	vshll.u32 v22, $0x7;
	v22 =	vadd.s32 v28, v22  }
0x17a: {  	v61 =	vand.u32 $0x7F, v25;
	v22 =	vshll.u32 v22, $0x7;
	v23 =	vadd.s32 v23, v30  }
0x17b: {  	v62 =	vand.u32 $0x7F, v26;
	v22 =	vadd.s32 v27, v22;
	v23 =	vor.u32 v61, v23  }
0x17c: {  	v60 =	vand.u32 $0x7F, v24;
	v63 =	vor.u32 v62, v22;
	v17 =	vadd.s32 v59, v58  }
0x17d: {  	vm0 =	vlt.s32 v15, v19;
	v10 =	vand.u32 $0x1FFFF, v10;
	v17 =	vor.u32 v60, v17;
	s3 =	spop (v2sf)  }
0x17e: {  	vm14 =	vlt.s32 v12, v16;
	v8 =	vand.u32 $0x1FFFF, v8;
	v2 =	vsel vm0, v2, v10;
	p0 =	slt.u32 s3, $0x80000001  }
.Ltmp7:
0x17f: {  	vm15 =	vlt.s32 v11, v13;
	v4 =	vsel vm14, v4, v8;
	[tilespmem:v7+s19+$0x0] =	vst.idx.msk $0xffff, v2;
	v2 =	vand.u32 $0x1FFFF, v5;
	(pc) =	sbr.rel @p0 .LBB2_24-.Ltmp7, $4  }
0x180: {  	vm1 =	vlt.s32 v14, v18;
	v9 =	vand.u32 $0x1FFFF, v9;
	v2 =	vsel vm15, v3, v2;
	[tilespmem:v23+s19+$0x0] =	vst.idx.msk $0xffff, v4  }
0x181: {  	v6 =	vsel vm1, v6, v9;
	[tilespmem:v63+s19+$0x0] =	vst.idx.msk $0xffff, v2  }
0x182: {  	[tilespmem:v17+s19+$0x0] =	vst.idx.msk $0xffff, v6  }
0x183: {  	_ =	strace $0x9000004A  }
0x184: {  	_ =	strace $0x8000004B;
	v2 =	vxor.u32 $0x80000000, v21  }
0x185: {  	(xrf0) =	vmax.scan.msk.u32 $0xffff, v2;
	v2 =	vor.u32 $0x80000000, v20  }
0x186: {  	(xrf0) =	vmax.scan.msk.u32 $0xffff, v2;
	_ =	sdelay $0x4  }
0x187: {  	v2, _, _ =	vpop (xrf0)  }
0x188: {  	(v2sf) =	vpush v2, $0xF;
	v2, _, _ =	vpop (xrf0)  }
0x189: {  	(v2sf) =	vpush v2, $0xF;
	_ =	sdelay $0xd  }
0x18a: {  	s12 =	spop (v2sf)  }
0x18b: {  	s16 =	spop (v2sf)  }
0x18c: {  	s3 =	sxor.u32 $0x80000000, s12;
	s14 =	sxor.u32 $0x80000000, s16  }
0x18d: {  	p0 =	sge.s32 s3, s14  }
.Ltmp8:
0x18e: {  	_ = 	snop;
	(pc) =	sbr.rel @p0 .LBB2_21-.Ltmp8, $2  }
0x18f: {  	_ =	sdelay $0x2  }
0x190: {  	s14 =	simm.s32 $0x0;
	s3 =	simm.s32 $0x0  }
0x191: {  	s16 =	ssub.s32 s16, s12  }
0x192: {  	p1 =	sne.s32 s16, $0x1  }
.Ltmp9:
0x193: {  	_ = 	snop;
	(pc) =	sbr.rel @!p1 .LBB2_15-.Ltmp9, $4  }
0x194: {  	s3 =	sshll.u32 s12, $0x6  }
0x195: {  	s17 =	sshra.s32 s3, $0x2  }
0x196: {  	s25 =	sshll.u32 s12, $0x4;
	s26 =	simm.s32 $0x0;
	s3 =	sadd.s32 $0x19F70, s17  }
0x197: {  	p0 =	por $0x0, $0x0;
	s16 =	sadd.s32 $0xFFFFFFFF, s16;
	s18 =	sadd.s32 $0x1AC70, s17;
	v2 =	vld [tilespmem:s3+$0x0]  }
0x198: {  	_ =	sdelay $0x3  }
0x199: {  	v3 =	vld [tilespmem:s18+$0x0];
	_ =	sdelay $0x3  }
0x19a: {  	v2 =	vld.idx.msk [tilespmem:v2+s4+$0x0], $0xffff  }
0x19b: {  	v3 =	vmul.f32 $3.276800000e+04, v3;
	_ =	sdelay $0x1  }
0x19c: {  	v3 =	vtrunc.f32 v3  }
0x19d: {  	v3 =	vcvt.f32.s32 v3  }
0x19e: {  	v2 =	vshrl.u32 v2, $0x11  }
0x19f: {  	v2 =	vsub.s32 v3, v2  }
0x1a0: {  	v2 =	vadd.s32 $0x1, v2  }
0x1a1: {  	vm0 =	vlt.u32 v2, $0x2  }
0x1a2: {  	v2 =	vmpcnt.ones.xlane vm0;
	_ =	sdelay $0x1  }
0x1a3: {  	p1 =	sne.s32 s16, $0x1;
	v2 =	vxor.u32 $0x80000000, v2  }
.Ltmp10:
0x1a4: {  	(xrf0) =	vmax.scan.msk.u32 $0xffff, v2;
	(pc) =	sbr.rel @!p1 .LBB2_17-.Ltmp10, $4  }
0x1a5: {  	p0 =	por $0x1, $0x1;
	s12 =	simm.s32 $0x0  }
0x1a6: {  	s12 =	simm.s32 @!p0 $0x70;
	v3 =	vor.u32 s25, v1  }
0x1a7: {  	s22 =	sadd.s32 $0xFFFFFFFF, s16;
	s17 =	smov.u32 s18;
	[tilespmem:s12+$0x1D970] =	vst.msk vm0, v3;
	s12 =	sadd.s32 $0x10, s3  }
0x1a8: {  	s31 =	simm.s32 $0x0;
	s16 =	smov.u32 s25;
	p0 =	por $0x1, $0x1;
	v2 =	vld [tilespmem:s12+$0x0]  }
.LBB2_18:
0x1a9: {  	p1 =	sne.s32 s22, $0x1  }
0x1aa: {  	v3, _, _ =	vpop (xrf0)  }
0x1ab: {  	(v2sf) =	vpush v3, $0xF  }
0x1ac: {  	s17 =	sadd.s32 $0x10, s17  }
0x1ad: {  	v3 =	vld [tilespmem:s17+$0x0];
	_ =	sdelay $0x2  }
0x1ae: {  	v2 =	vld.idx.msk [tilespmem:v2+s4+$0x0], $0xffff;
	_ =	sdelay $0x1  }
0x1af: {  	v3 =	vmul.f32 $3.276800000e+04, v3;
	_ =	sdelay $0x1  }
0x1b0: {  	v3 =	vtrunc.f32 v3  }
0x1b1: {  	v3 =	vcvt.f32.s32 v3  }
0x1b2: {  	v2 =	vshrl.u32 v2, $0x11  }
0x1b3: {  	v2 =	vsub.s32 v3, v2  }
0x1b4: {  	v2 =	vadd.s32 $0x1, v2  }
0x1b5: {  	vm0 =	vlt.u32 v2, $0x2  }
0x1b6: {  	v2 =	vmpcnt.ones.xlane vm0;
	s3 =	spop (v2sf)  }
0x1b7: {  	s3 =	sadd.s32 s3, s31  }
0x1b8: {  	s16 =	sadd.s32 $0x10, s16;
	v2 =	vxor.u32 $0x80000000, v2;
	s31 =	sadd.s32 $0x80000000, s3  }
.Ltmp11:
0x1b9: {  	p2 =	slt.s32 s31, $0x70;
	(xrf0) =	vmax.scan.msk.u32 $0xffff, v2;
	s3 =	smov.u32 s31;
	(pc) =	sbr.rel @p1 .LBB2_18-.Ltmp11, $4  }
0x1ba: {  	v2 =	vor.u32 s16, v1;
	s3 =	simm.s32 @!p2 $0x70  }
0x1bb: {  	[tilespmem:s3+$0x1D970] =	vst.msk vm0, v2  }
0x1bc: {  	s12 =	sadd.s32 $0x10, s12  }
0x1bd: {  	s22 =	sadd.s32 $0xFFFFFFFF, s22;
	v2 =	vld [tilespmem:s12+$0x0]  }
0x1be: {  	s22 =	simm.s32 $0x0  }
.LBB2_20:
0x1bf: {  	_ = 	snop  }
0x1c0: {  	s3 =	sadd.s32 @p0 $0x10, s17  }
0x1c1: {  	s18 =	smov.u32 @p0 s3  }
0x1c2: {  	v3 =	vld [tilespmem:s18+$0x0];
	_ =	sdelay $0x3  }
0x1c3: {  	v2 =	vld.idx.msk [tilespmem:v2+s4+$0x0], $0xffff  }
0x1c4: {  	v3 =	vmul.f32 $3.276800000e+04, v3;
	_ =	sdelay $0x1  }
0x1c5: {  	v3 =	vtrunc.f32 v3  }
0x1c6: {  	v3 =	vcvt.f32.s32 v3  }
0x1c7: {  	v2 =	vshrl.u32 v2, $0x11  }
0x1c8: {  	v2 =	vsub.s32 v3, v2  }
0x1c9: {  	v2 =	vadd.s32 $0x1, v2  }
0x1ca: {  	vm0 =	vlt.u32 v2, $0x2  }
0x1cb: {  	v2 =	vmpcnt.ones.xlane vm0;
	_ =	sdelay $0x1  }
0x1cc: {  	v2 =	vxor.u32 $0x80000000, v2  }
0x1cd: {  	(xrf0) =	vmax.scan.msk.u32 $0xffff, v2;
	_ =	sdelay $0x2  }
0x1ce: {  	v2, _, _ =	vpop @p0 (xrf0)  }
0x1cf: {  	(v2sf) =	vpush @p0 v2, $0xF;
	_ =	sdelay $0x1  }
0x1d0: {  	v2, _, _ =	vpop (xrf0)  }
0x1d1: {  	(v2sf) =	vpush v2, $0xF;
	_ =	sdelay $0xb  }
0x1d2: {  	s3 =	spop @p0 (v2sf)  }
0x1d3: {  	s3 =	sadd.s32 @p0 s3, s31  }
0x1d4: {  	s3 =	sadd.s32 @p0 $0x80000000, s3  }
0x1d5: {  	s26 =	smov.u32 @p0 s3;
	s31 =	spop (v2sf)  }
0x1d6: {  	s12 =	sadd.s32 @p0 $0x10, s16;
	s3 =	sadd.s32 s31, s26  }
0x1d7: {  	s25 =	smov.u32 @p0 s12;
	p1 =	slt.s32 s26, $0x70;
	s3 =	sadd.s32 $0x80000000, s3  }
0x1d8: {  	v2 =	vor.u32 s25, v1;
	s26 =	simm.s32 @!p1 $0x70;
	p0 =	slt.s32 s3, $0x70  }
0x1d9: {  	[tilespmem:s26+$0x1D970] =	vst.msk vm0, v2;
	s3 =	simm.s32 @!p0 $0x70  }
.LBB2_21:
0x1da: {  	v2 =	vld [tilespmem:$0x1D970];
	_ =	sdelay $0x5  }
0x1db: {  	v3 =	vld [tilespmem:$0x1D980];
	_ =	sdelay $0x1  }
0x1dc: {  	v2 =	vld.idx.msk [tilespmem:v2+s0+$0x0], $0xffff;
	_ =	sdelay $0x3  }
0x1dd: {  	v4 =	vld [tilespmem:$0x1D990]  }
0x1de: {  	[tilespmem:$0x1D9F0] =	vst v2  }
0x1df: {  	v2 =	vld.idx.msk [tilespmem:v3+s0+$0x0], $0xffff;
	_ =	sdelay $0x3  }
0x1e0: {  	v3 =	vld [tilespmem:$0x1D9A0]  }
0x1e1: {  	[tilespmem:$0x1DA00] =	vst v2  }
0x1e2: {  	v2 =	vld.idx.msk [tilespmem:v4+s0+$0x0], $0xffff;
	_ =	sdelay $0x3  }
0x1e3: {  	v4 =	vld [tilespmem:$0x1D9B0]  }
0x1e4: {  	[tilespmem:$0x1DA10] =	vst v2  }
0x1e5: {  	v2 =	vld.idx.msk [tilespmem:v3+s0+$0x0], $0xffff;
	_ =	sdelay $0x3  }
0x1e6: {  	v3 =	vld [tilespmem:$0x1D9C0]  }
0x1e7: {  	[tilespmem:$0x1DA20] =	vst v2  }
0x1e8: {  	v2 =	vld.idx.msk [tilespmem:v4+s0+$0x0], $0xffff;
	_ =	sdelay $0x3  }
0x1e9: {  	v4 =	vld [tilespmem:$0x1D9D0]  }
0x1ea: {  	[tilespmem:$0x1DA30] =	vst v2  }
0x1eb: {  	v2 =	vld.idx.msk [tilespmem:v3+s0+$0x0], $0xffff;
	_ =	sdelay $0x3  }
0x1ec: {  	v3 =	vld [tilespmem:$0x1D9E0]  }
0x1ed: {  	[tilespmem:$0x1DA40] =	vst v2  }
0x1ee: {  	v2 =	vld.idx.msk [tilespmem:v4+s0+$0x0], $0xffff;
	_ =	sdelay $0x4  }
0x1ef: {  	[tilespmem:$0x1DA50] =	vst v2  }
0x1f0: {  	v2 =	vld.idx.msk [tilespmem:v3+s0+$0x0], $0xffff;
	_ =	sdelay $0x4  }
0x1f1: {  	s12 =	simm.s32 $0x1D9F0;
	s16 =	simm.s32 $0x1DA70;
	[tilespmem:$0x1DA60] =	vst v2  }
0x1f2: {  	[tilespmem:s16], [sflag:$0x5] =	stream.indirect.gather [spmem:s20], $0x1, s12, s23, $0x2000b8;
	[tilespmem:$0x1DAF0] =	vst v63  }
0x1f3: {  	_ =	swait.ge [sflag:s13], $0x80  }
0x1f4: {  	[sflag:s13] =	ssyncset.done $0x0  }
0x1f5: {  	s17 =	simm.s32 $0x1D970;
	[sflag:s13] =	ssyncadd.s32 $0xFFFFFF80  }
0x1f6: {  	v3 =	vld [tilespmem:s17+$0x0];
	_ =	sdelay $0x2  }
0x1f7: {  	v4 =	vld [tilespmem:s12+$0x0];
	_ =	sdelay $0x1  }
0x1f8: {  	v2 =	vmul.u32 $0x147B, v3;
	_ =	sdelay $0x1  }
0x1f9: {  	v5 =	vshra.s32 v2, $0x12  }
0x1fa: {  	v6 =	vmul.u32 $0xFFFFFFCE, v5  }
0x1fb: {  	v63 =	vld [tilespmem:s16+$0x0]  }
0x1fc: {  	v9 =	vor.u32 s14, v1;
	v8 =	vld.idx.msk [tilespmem:v3+s5+$0x0], $0xffff;
	v3 =	vadd.s32 v3, v6  }
0x1fd: {  	v2 =	vmov s3;
	v7 =	vld.idx.msk [tilespmem:v4+s4+$0x0], $0xffff;
	v5 =	vshll.u32 v5, $0x7;
	v10 =	vand.u32 $0xFFFFFF80, v3  }
0x1fe: {  	vm0 =	vlt.s32 v9, v2;
	v3 =	vand.u32 $0x7F, v3;
	v5 =	vadd.s32 v5, v10  }
0x1ff: {  	v3 =	vor.u32 v3, v5;
	_ =	sdelay $0x2  }
0x200: {  	vm1 =	vlt.f32 v8, v63;
	v5 =	vand.u32 $0x1FFFF, v7  }
0x201: {  	v4 =	vsel vm1, v4, v5  }
0x202: {  	s12 =	simm.s32 $0x1D980;
	[tilespmem:v3+s19+$0x0] =	vst.idx.msk vm0, v4  }
0x203: {  	s14 =	simm.s32 $0x1DA00;
	s17 =	simm.s32 $0x20;
	s3 =	simm.s32 $0x10;
	v3 =	vld [tilespmem:s12+$0x0]  }
.LBB2_22:
0x204: {  	p0 =	sne.s32 s17, $0x70;
	v4 =	vld [tilespmem:s14+$0x0];
	_ =	sdelay $0x3  }
0x205: {  	v5 =	vmul.u32 $0x147B, v3;
	_ =	sdelay $0x1  }
0x206: {  	v5 =	vshra.s32 v5, $0x12  }
0x207: {  	v6 =	vmul.u32 $0xFFFFFFCE, v5  }
0x208: {  	v7 =	vld.idx.msk [tilespmem:v4+s4+$0x0], $0xffff  }
0x209: {  	s16 =	sadd.s32 $0x10, s16;
	v8 =	vld.idx.msk [tilespmem:v3+s5+$0x0], $0xffff;
	v3 =	vadd.s32 v3, v6  }
0x20a: {  	v9 =	vor.u32 s3, v1;
	s3 =	smov.u32 s17;
	v5 =	vshll.u32 v5, $0x7;
	v6 =	vld [tilespmem:s16+$0x0];
	v10 =	vand.u32 $0xFFFFFF80, v3  }
0x20b: {  	vm0 =	vlt.s32 v9, v2;
	v3 =	vand.u32 $0x7F, v3;
	v5 =	vadd.s32 v5, v10  }
0x20c: {  	v3 =	vor.u32 v3, v5;
	_ =	sdelay $0x1  }
.Ltmp12:
0x20d: {  	(pc) =	sbr.rel @p0 .LBB2_22-.Ltmp12, $4  }
0x20e: {  	v5 =	vand.u32 $0x1FFFF, v7;
	vm1 =	vlt.f32 v8, v6  }
0x20f: {  	v4 =	vsel vm1, v4, v5  }
0x210: {  	s12 =	sadd.s32 $0x10, s12;
	[tilespmem:v3+s19+$0x0] =	vst.idx.msk vm0, v4  }
0x211: {  	s17 =	sadd.s32 $0x10, s17;
	s14 =	sadd.s32 $0x10, s14;
	v3 =	vld [tilespmem:s12+$0x0]  }
0x212: {  	_ =	sdelay $0x1  }
0x213: {  	v4 =	vld [tilespmem:s14+$0x0];
	_ =	sdelay $0x1  }
0x214: {  	v5 =	vmul.u32 $0x147B, v3;
	_ =	sdelay $0x1  }
0x215: {  	v5 =	vshra.s32 v5, $0x12  }
0x216: {  	s12 =	sadd.s32 $0x10, s16;
	v6 =	vmul.u32 $0xFFFFFFCE, v5  }
0x217: {  	v63 =	vld [tilespmem:s12+$0x0]  }
0x218: {  	v8 =	vld.idx.msk [tilespmem:v3+s5+$0x0], $0xffff;
	v3 =	vadd.s32 v3, v6  }
0x219: {  	v9 =	vor.u32 s3, v1;
	v5 =	vshll.u32 v5, $0x7;
	v7 =	vld.idx.msk [tilespmem:v4+s4+$0x0], $0xffff;
	v10 =	vand.u32 $0xFFFFFF80, v3  }
0x21a: {  	vm0 =	vlt.s32 v9, v2;
	v2 =	vand.u32 $0x7F, v3;
	v3 =	vadd.s32 v5, v10  }
0x21b: {  	v2 =	vor.u32 v2, v3;
	_ =	sdelay $0x2  }
0x21c: {  	vm1 =	vlt.f32 v8, v63;
	v3 =	vand.u32 $0x1FFFF, v7  }
0x21d: {  	v3 =	vsel vm1, v4, v3  }
0x21e: {  	[tilespmem:v2+s19+$0x0] =	vst.idx.msk vm0, v3  }
0x21f: {  	_ =	strace $0x9000004B  }
.LBB2_24:
0x220: {  	s3 =	sshll.u32 s24, $0xA;
	p0 =	seq.s32 s24, $0x7  }
0x221: {  	s25 =	sadd.s32 s3, s28;
	s3 =	smul.u32 @!p0 $0xC80, s24  }
0x222: {  	[hbm4b:s25+s4] =	stream.linear.scatter [tilespmem:s19], [sflag:$0x6], $0x1000, $0x38;
	[tilespmem:$0x1DAF0] =	vst v63  }
0x223: {  	s3 =	sadd.s32 @!p0 s3, s29  }
0x224: {  	s14 =	simm.s32 @!p0 $0x0;
	s3 =	sshrl.u32 @!p0 s3, $0x3  }
0x225: {  	s16 =	simm.s32 @!p0 $0x19F70;
	p1 =	seq.s32 @!p0 s24, $0x0;
	s12 =	sadd.s32 @!p0 s1, s3  }
0x226: {  	[tilespmem:s16], [sflag:$0x1] =	stream.linear.gather @!p0 [hbm4b:s12+s14], $0x640, $0x38;
	[tilespmem:$0x1DAF0] =	vst v63  }
0x227: {  	p1 =	por p0, !p1;
	s3 =	sadd.s32 @!p0 s2, s3;
	s12 =	simm.s32 @!p0 $0x1AC70  }
0x228: {  	[tilespmem:s12], [sflag:$0x3] =	stream.linear.gather @!p0 [hbm4b:s3+s14], $0x640, $0x38;
	[tilespmem:$0x1DAF0] =	vst v63  }
0x229: {  	_ =	swait.ge @p1 [sflag:s15], $0x1000  }
0x22a: {  	[sflag:s15] =	ssyncset.done @p1 $0x0  }
0x22b: {  	[sflag:s15] =	ssyncadd.s32 @p1 $0xFFFFF000  }
0x22c: {  	_ =	swait.ge [sflag:s10], $0x640  }
0x22d: {  	[sflag:s10] =	ssyncset.done $0x0  }
0x22e: {  	[sflag:s10] =	ssyncadd.s32 $0xFFFFF9C0  }
0x22f: {  	_ =	swait.ge [sflag:s11], $0x640  }
0x230: {  	[sflag:s11] =	ssyncset.done $0x0  }
0x231: {  	[sflag:s11] =	ssyncadd.s32 $0xFFFFF9C0  }
0x232: {  	s12 =	simm.s32 $0x1A610;
	_ =	strace $0x8000004C  }
0x233: {  	v3 =	vld [tilespmem:s12+$0x10]  }
0x234: {  	v4 =	vld [tilespmem:s12+$0x0]  }
0x235: {  	v6 =	vld [tilespmem:s12+$0xFFFFFFF0]  }
0x236: {  	s26 =	simm.s32 $0x1B310;
	v2 =	vld [tilespmem:s12+$0xFFFFFFE0]  }
0x237: {  	v7 =	vld [tilespmem:s26+$0x10]  }
0x238: {  	v10 =	vld [tilespmem:s26+$0x0]  }
0x239: {  	v11 =	vld [tilespmem:s26+$0xFFFFFFF0]  }
0x23a: {  	v12 =	vld [tilespmem:s26+$0xFFFFFFE0];
	_ =	sdelay $0x1  }
0x23b: {  	v20 =	vlaneseq.u32;
	v21 =	vimm.s32 $0x640;
	v22 =	vimm.s32 $0x0  }
0x23c: {  	s31 =	simm.s32 $0x4;
	v9 =	vand.u32 $0xFFFFFF80, v20;
	v13 =	vshll.u32 v22, $0x7;
	v14 =	vand.u32 $0x7F, v20;
	v5 =	vld.idx.msk [tilespmem:v3+s4+$0x0], $0xffff  }
0x23d: {  	v24 =	vmov s31;
	v15 =	vmul.f32 $3.276800000e+04, v10;
	v16 =	vmul.f32 $3.276800000e+04, v7;
	v8 =	vld.idx.msk [tilespmem:v4+s4+$0x0], $0xffff  }
0x23e: {  	v13 =	vadd.s32 v13, v9;
	v12 =	vmul.f32 $3.276800000e+04, v12;
	v11 =	vmul.f32 $3.276800000e+04, v11;
	v9 =	vld.idx.msk [tilespmem:v6+s4+$0x0], $0xffff  }
0x23f: {  	s17 =	simm.s32 $0x1;
	v7 =	vor.u32 v14, v13;
	v13 =	vtrunc.f32 v15;
	v14 =	vtrunc.f32 v16;
	v10 =	vld.idx.msk [tilespmem:v2+s4+$0x0], $0xffff  }
0x240: {  	s18 =	simm.s32 $0x2;
	v29 =	vmov s17;
	v15 =	vtrunc.f32 v12;
	v16 =	vtrunc.f32 v11  }
0x241: {  	v30 =	vmov s18;
	v12 =	vcvt.f32.s32 v13;
	v11 =	vcvt.f32.s32 v14  }
0x242: {  	vm4 =	vgt.s32 v22, s17;
	v15 =	vcvt.f32.s32 v15;
	v14 =	vcvt.f32.s32 v16  }
0x243: {  	v13 =	vshrl.u32 v5, $0x11;
	v18 =	vshrl.u32 v9, $0x11;
	v16 =	vshrl.u32 v8, $0x11  }
0x244: {  	v19 =	vshrl.u32 v10, $0x11;
	v25 =	vsub.s32 v14, v18;
	v26 =	vsub.s32 v12, v16  }
0x245: {  	v27 =	vsub.s32 v11, v13;
	v28 =	vsub.s32 v15, v19;
	v26 =	vadd.s32 $0x1, v26  }
0x246: {  	v27 =	vadd.s32 $0x1, v27;
	v28 =	vadd.s32 $0x1, v28;
	v25 =	vadd.s32 $0x1, v25  }
0x247: {  	vm0 =	vlt.u32 v27, $0x2;
	vm1 =	vlt.u32 v25, $0x2;
	vm2 =	vlt.u32 v26, $0x2  }
0x248: {  	s16 =	simm.s32 $0x3;
	vm14 =	vlt.u32 v28, $0x2;
	v26 =	vmpcnt.ones.xlane vm1;
	v27 =	vmpcnt.ones.xlane vm2  }
0x249: {  	v23 =	vmov s16;
	s14 =	simm.s32 $0x0;
	v25 =	vmpcnt.ones.xlane vm0;
	v28 =	vmpcnt.ones.xlane vm14  }
0x24a: {  	v17 =	vmov s14;
	vm1 =	vgt.s32 v26, $0x0;
	vm15 =	vgt.s32 v27, $0x0  }
0x24b: {  	vm7 =	vgt.s32 v25, $0x0;
	v31 =	vadd.s32 v22, v28;
	vm3 =	vgt.s32 v28, $0x0  }
0x24c: {  	v23 =	vnsel vm7, $0x640, v23;
	v26 =	vadd.s32 v26, v31;
	v28 =	vnsel vm15, $0x640, v30  }
0x24d: {  	v30 =	vnsel vm7, $0x0, v24;
	v24 =	vnsel vm3, $0x640, v17;
	v29 =	vnsel vm1, $0x640, v29  }
0x24e: {  	v17 =	vadd.s32 v27, v26;
	vm8 =	vlt.s32 v21, v24;
	v26 =	vadd.s32 $0x10, v20  }
0x24f: {  	v20 =	vadd.s32 $0xFFFFFFDE, v20;
	v17 =	vadd.s32 v25, v17;
	vm5 =	vgt.s32 v26, $0x31  }
0x250: {  	v21 =	vsel vm8, v21, v24;
	v25 =	vnsel vm4, s17, v22;
	v24 =	vsel vm5, v20, v26  }
0x251: {  	v20 =	vsel vm3, v25, v22;
	vm2 =	vlt.s32 v21, v29;
	v25 =	vadd.s32 $0x10, v24  }
0x252: {  	vm3 =	vgt.s32 v20, s18;
	v26 =	vadd.s32 $0xFFFFFFDE, v24;
	v21 =	vsel vm2, v21, v29  }
0x253: {  	vm9 =	vgt.s32 v25, $0x31;
	v27 =	vnsel vm3, s18, v20;
	vm10 =	vlt.s32 v21, v28  }
0x254: {  	v25 =	vsel vm9, v26, v25;
	v20 =	vsel vm1, v27, v20;
	v21 =	vsel vm10, v21, v28  }
0x255: {  	v29 =	vsel vm9, $0x1, v0;
	v26 =	vadd.s32 $0x10, v25;
	vm11 =	vgt.s32 v20, s16  }
0x256: {  	v27 =	vadd.s32 $0xFFFFFFDE, v25;
	vm12 =	vgt.s32 v26, $0x31;
	v28 =	vnsel vm11, s16, v20  }
0x257: {  	vm13 =	vlt.s32 v21, v23;
	v26 =	vsel vm12, v27, v26;
	v20 =	vsel vm15, v28, v20  }
0x258: {  	v21 =	vsel vm13, v21, v23;
	v27 =	vadd.s32 $0x10, v26;
	vm14 =	vgt.s32 v20, v30  }
0x259: {  	v28 =	vadd.s32 $0xFFFFFFDE, v26;
	vm15 =	vgt.s32 v27, $0x31;
	v20 =	vsel vm14, v20, v30  }
0x25a: {  	v23 =	vsel vm15, v28, v27;
	v27 =	vsel vm5, $0x1, v0;
	v28 =	vsel vm12, $0x1, v0  }
0x25b: {  	s14 =	simm.s32 $0x1A650;
	v30 =	vadd.s32 v27, v22;
	v27 =	vand.u32 $0xFFFFFF80, v26;
	v22 =	vsel vm15, $0x1, v0  }
.LBB2_25:
0x25c: {  	v31 =	vld [tilespmem:s14+$0x10];
	v32 =	vshll.u32 v30, $0x7;
	v29 =	vadd.s32 v29, v30;
	v30 =	vand.u32 $0xFFFFFF80, v25;
	s18 =	smov.u32 s31  }
0x25d: {  	v34 =	vand.u32 $0xFFFFFF80, v24;
	v33 =	vld [tilespmem:s14+$0x0];
	v35 =	vshll.u32 v29, $0x7;
	v28 =	vadd.s32 v28, v29  }
0x25e: {  	v29 =	vand.u32 $0xFFFFFF80, v23;
	v36 =	vld [tilespmem:s14+$0xFFFFFFF0];
	v37 =	vshll.u32 v28, $0x7;
	v22 =	vadd.s32 v22, v28  }
0x25f: {  	vm0 =	vlt.s32 v15, v19;
	vm1 =	vlt.s32 v14, v18;
	s26 =	sadd.s32 $0x40, s26;
	v28 =	vld [tilespmem:s14+$0xFFFFFFE0];
	v38 =	vshll.u32 v22, $0x7  }
0x260: {  	vm2 =	vlt.s32 v12, v16;
	vm3 =	vlt.s32 v11, v13;
	v11 =	vadd.s32 v27, v37;
	v14 =	vld [tilespmem:s26+$0x10]  }
0x261: {  	v10 =	vand.u32 $0x1FFFF, v10;
	v9 =	vand.u32 $0x1FFFF, v9;
	v13 =	vand.u32 $0x1FFFF, v8;
	v12 =	vld [tilespmem:s26+$0x0]  }
0x262: {  	v18 =	vand.u32 $0x1FFFF, v5;
	v19 =	vand.u32 $0x7F, v26;
	v16 =	vadd.s32 v30, v35;
	v15 =	vld [tilespmem:s26+$0xFFFFFFF0]  }
0x263: {  	v24 =	vand.u32 $0x7F, v24;
	v25 =	vand.u32 $0x7F, v25;
	v27 =	vadd.s32 v34, v32;
	v26 =	vld [tilespmem:s26+$0xFFFFFFE0]  }
0x264: {  	v30 =	vand.u32 $0x7F, v23;
	v32 =	vsel vm0, v2, v10;
	v29 =	vadd.s32 v38, v29;
	v5 =	vld.idx.msk [tilespmem:v31+s4+$0x0], $0xffff;
	v2 =	vmovc v28  }
0x265: {  	v35 =	vsel vm2, v4, v13;
	v34 =	vsel vm1, v6, v9;
	v37 =	vsel vm3, v3, v18;
	v8 =	vld.idx.msk [tilespmem:v33+s4+$0x0], $0xffff  }
0x266: {  	p1 =	slt.u32 s31, $0x60;
	v16 =	vor.u32 v25, v16;
	v13 =	vor.u32 v24, v27;
	v24 =	vor.u32 v19, v11;
	v9 =	vld.idx.msk [tilespmem:v36+s4+$0x0], $0xffff  }
0x267: {  	v11 =	vmul.f32 $3.276800000e+04, v12;
	v12 =	vmul.f32 $3.276800000e+04, v14;
	v10 =	vld.idx.msk [tilespmem:v28+s4+$0x0], $0xffff;
	[tilespmem:v7+s21+$0x0] =	vst.idx.msk $0xffff, v32;
	v7 =	vor.u32 v30, v29  }
0x268: {  	v3 =	vmovc v31;
	v4 =	vmovc v33;
	v6 =	vmov v36;
	v15 =	vmul.f32 $3.276800000e+04, v15;
	v14 =	vmul.f32 $3.276800000e+04, v26  }
0x269: {  	s16 =	sadd.s32 $0x3, s31;
	v25 =	vmov s31;
	v11 =	vtrunc.f32 v11;
	v18 =	vtrunc.f32 v12  }
0x26a: {  	s31 =	sadd.s32 $0x4, s31;
	v26 =	vmov s16;
	v19 =	vtrunc.f32 v15;
	v14 =	vtrunc.f32 v14  }
0x26b: {  	v27 =	vmov s31;
	v12 =	vcvt.f32.s32 v11;
	v11 =	vcvt.f32.s32 v18;
	[tilespmem:v13+s21+$0x0] =	vst.idx.msk $0xffff, v34  }
0x26c: {  	v15 =	vcvt.f32.s32 v14;
	v14 =	vcvt.f32.s32 v19;
	v13 =	vshrl.u32 v5, $0x11;
	[tilespmem:v16+s21+$0x0] =	vst.idx.msk $0xffff, v35  }
0x26d: {  	v18 =	vshrl.u32 v9, $0x11;
	v19 =	vshrl.u32 v10, $0x11;
	v16 =	vshrl.u32 v8, $0x11;
	[tilespmem:v24+s21+$0x0] =	vst.idx.msk $0xffff, v37  }
0x26e: {  	v29 =	vsub.s32 v11, v13;
	v24 =	vsub.s32 v14, v18;
	v28 =	vsub.s32 v12, v16  }
0x26f: {  	v30 =	vsub.s32 v15, v19;
	v29 =	vadd.s32 $0x1, v29;
	v28 =	vadd.s32 $0x1, v28  }
0x270: {  	v30 =	vadd.s32 $0x1, v30;
	v24 =	vadd.s32 $0x1, v24;
	vm0 =	vlt.u32 v29, $0x2  }
0x271: {  	vm1 =	vlt.u32 v24, $0x2;
	vm2 =	vlt.u32 v28, $0x2;
	v24 =	vmpcnt.ones.xlane vm0  }
0x272: {  	s3 =	sadd.s32 $0x1, s18;
	s12 =	sadd.s32 $0x2, s18;
	vm0 =	vlt.u32 v30, $0x2;
	v28 =	vmpcnt.ones.xlane vm1;
	v29 =	vmpcnt.ones.xlane vm2  }
0x273: {  	v31 =	vmov s3;
	v32 =	vmov s12;
	v30 =	vmpcnt.ones.xlane vm0  }
0x274: {  	vm1 =	vgt.s32 v24, $0x0;
	vm2 =	vgt.s32 v28, $0x0;
	vm0 =	vgt.s32 v29, $0x0  }
0x275: {  	v17 =	vadd.s32 v17, v30;
	vm3 =	vgt.s32 v30, $0x0;
	v30 =	vnsel vm1, $0x640, v26  }
0x276: {  	v27 =	vnsel vm1, $0x0, v27;
	v17 =	vadd.s32 v28, v17;
	v26 =	vnsel vm0, $0x640, v32  }
0x277: {  	v25 =	vnsel vm3, $0x640, v25;
	v28 =	vnsel vm2, $0x640, v31;
	v17 =	vadd.s32 v29, v17  }
0x278: {  	vm4 =	vlt.s32 v21, v25;
	v29 =	vadd.s32 $0x10, v23;
	v17 =	vadd.s32 v24, v17  }
0x279: {  	vm5 =	vgt.s32 v20, s3;
	v23 =	vadd.s32 $0xFFFFFFDE, v23;
	vm1 =	vgt.s32 v29, $0x31  }
0x27a: {  	v21 =	vsel vm4, v21, v25;
	v25 =	vnsel vm5, s3, v20;
	v24 =	vsel vm1, v23, v29  }
0x27b: {  	v20 =	vsel vm3, v25, v20;
	vm3 =	vlt.s32 v21, v28;
	v23 =	vadd.s32 $0x10, v24  }
0x27c: {  	vm4 =	vgt.s32 v20, s12;
	v25 =	vadd.s32 $0xFFFFFFDE, v24;
	vm5 =	vgt.s32 v23, $0x31  }
0x27d: {  	v21 =	vsel vm3, v21, v28;
	v28 =	vnsel vm4, s12, v20;
	v25 =	vsel vm5, v25, v23  }
0x27e: {  	v20 =	vsel vm2, v28, v20;
	vm2 =	vlt.s32 v21, v26;
	v23 =	vadd.s32 $0x10, v25  }
0x27f: {  	vm3 =	vgt.s32 v20, s16;
	v28 =	vadd.s32 $0xFFFFFFDE, v25;
	vm4 =	vgt.s32 v23, $0x31  }
0x280: {  	v21 =	vsel vm2, v21, v26;
	v29 =	vnsel vm3, s16, v20;
	v26 =	vsel vm4, v28, v23  }
.Ltmp13:
0x281: {  	v20 =	vsel vm0, v29, v20;
	vm0 =	vlt.s32 v21, v30;
	v23 =	vadd.s32 $0x10, v26;
	(pc) =	sbr.rel @p1 .LBB2_25-.Ltmp13, $4  }
0x282: {  	vm2 =	vgt.s32 v20, v27;
	v28 =	vadd.s32 $0xFFFFFFDE, v26;
	vm3 =	vgt.s32 v23, $0x31  }
0x283: {  	v21 =	vsel vm0, v21, v30;
	v20 =	vsel vm2, v20, v27;
	v23 =	vsel vm3, v28, v23  }
0x284: {  	v29 =	vsel vm5, $0x1, v0;
	v27 =	vsel vm1, $0x1, v0;
	v28 =	vsel vm4, $0x1, v0  }
0x285: {  	s14 =	sadd.s32 $0x40, s14;
	v30 =	vadd.s32 v27, v22;
	v27 =	vand.u32 $0xFFFFFF80, v26;
	v22 =	vsel vm3, $0x1, v0  }
0x286: {  	v17 =	vxor.u32 $0x80000000, v17  }
0x287: {  	(xrf0) =	vmax.scan.msk.u32 $0xffff, v17;
	_ =	sdelay $0x5  }
0x288: {  	v17, _, _ =	vpop (xrf0)  }
0x289: {  	(v2sf) =	vpush v17, $0xF;
	_ =	sdelay $0x9  }
0x28a: {  	v58 =	vshll.u32 v30, $0x7;
	v22 =	vadd.s32 v29, v30;
	v23 =	vand.u32 $0xFFFFFF80, v25  }
0x28b: {  	v59 =	vand.u32 $0xFFFFFF80, v24;
	v30 =	vshll.u32 v22, $0x7;
	v22 =	vadd.s32 v28, v22  }
0x28c: {  	v61 =	vand.u32 $0x7F, v25;
	v22 =	vshll.u32 v22, $0x7;
	v23 =	vadd.s32 v23, v30  }
0x28d: {  	v62 =	vand.u32 $0x7F, v26;
	v22 =	vadd.s32 v27, v22;
	v23 =	vor.u32 v61, v23  }
0x28e: {  	v60 =	vand.u32 $0x7F, v24;
	v63 =	vor.u32 v62, v22;
	v17 =	vadd.s32 v59, v58  }
0x28f: {  	vm0 =	vlt.s32 v15, v19;
	v10 =	vand.u32 $0x1FFFF, v10;
	v17 =	vor.u32 v60, v17;
	s3 =	spop (v2sf)  }
0x290: {  	vm14 =	vlt.s32 v12, v16;
	v8 =	vand.u32 $0x1FFFF, v8;
	v2 =	vsel vm0, v2, v10;
	p1 =	slt.u32 s3, $0x80000001  }
.Ltmp14:
0x291: {  	vm15 =	vlt.s32 v11, v13;
	v4 =	vsel vm14, v4, v8;
	[tilespmem:v7+s21+$0x0] =	vst.idx.msk $0xffff, v2;
	v2 =	vand.u32 $0x1FFFF, v5;
	(pc) =	sbr.rel @p1 .LBB2_38-.Ltmp14, $4  }
0x292: {  	vm1 =	vlt.s32 v14, v18;
	v9 =	vand.u32 $0x1FFFF, v9;
	v2 =	vsel vm15, v3, v2;
	[tilespmem:v23+s21+$0x0] =	vst.idx.msk $0xffff, v4  }
0x293: {  	v6 =	vsel vm1, v6, v9;
	[tilespmem:v63+s21+$0x0] =	vst.idx.msk $0xffff, v2  }
0x294: {  	[tilespmem:v17+s21+$0x0] =	vst.idx.msk $0xffff, v6  }
0x295: {  	_ =	strace $0x9000004C  }
0x296: {  	_ =	strace $0x8000004D;
	v2 =	vxor.u32 $0x80000000, v21  }
0x297: {  	(xrf0) =	vmax.scan.msk.u32 $0xffff, v2;
	v2 =	vor.u32 $0x80000000, v20  }
0x298: {  	(xrf0) =	vmax.scan.msk.u32 $0xffff, v2;
	_ =	sdelay $0x4  }
0x299: {  	v2, _, _ =	vpop (xrf0)  }
0x29a: {  	(v2sf) =	vpush v2, $0xF;
	v2, _, _ =	vpop (xrf0)  }
0x29b: {  	(v2sf) =	vpush v2, $0xF;
	_ =	sdelay $0xd  }
0x29c: {  	s16 =	spop (v2sf)  }
0x29d: {  	s12 =	spop (v2sf)  }
0x29e: {  	s3 =	sxor.u32 $0x80000000, s16;
	s14 =	sxor.u32 $0x80000000, s12  }
0x29f: {  	p1 =	sge.s32 s3, s14  }
.Ltmp15:
0x2a0: {  	_ = 	snop;
	(pc) =	sbr.rel @p1 .LBB2_35-.Ltmp15, $2  }
0x2a1: {  	_ =	sdelay $0x2  }
0x2a2: {  	s14 =	simm.s32 $0x0;
	s3 =	simm.s32 $0x0  }
0x2a3: {  	s18 =	ssub.s32 s12, s16  }
0x2a4: {  	p2 =	sne.s32 s18, $0x1  }
.Ltmp16:
0x2a5: {  	_ = 	snop;
	(pc) =	sbr.rel @!p2 .LBB2_29-.Ltmp16, $4  }
0x2a6: {  	s3 =	sshll.u32 s16, $0x6  }
0x2a7: {  	s17 =	sshra.s32 s3, $0x2  }
0x2a8: {  	s26 =	sshll.u32 s16, $0x4;
	s31 =	simm.s32 $0x0;
	s3 =	sadd.s32 $0x1A5F0, s17  }
0x2a9: {  	p1 =	por $0x0, $0x0;
	s16 =	sadd.s32 $0xFFFFFFFF, s18;
	s12 =	sadd.s32 $0x1B2F0, s17;
	v2 =	vld [tilespmem:s3+$0x0]  }
0x2aa: {  	_ =	sdelay $0x3  }
0x2ab: {  	v3 =	vld [tilespmem:s12+$0x0];
	_ =	sdelay $0x3  }
0x2ac: {  	v2 =	vld.idx.msk [tilespmem:v2+s4+$0x0], $0xffff  }
0x2ad: {  	v3 =	vmul.f32 $3.276800000e+04, v3;
	_ =	sdelay $0x1  }
0x2ae: {  	v3 =	vtrunc.f32 v3  }
0x2af: {  	v3 =	vcvt.f32.s32 v3  }
0x2b0: {  	v2 =	vshrl.u32 v2, $0x11  }
0x2b1: {  	v2 =	vsub.s32 v3, v2  }
0x2b2: {  	v2 =	vadd.s32 $0x1, v2  }
0x2b3: {  	vm0 =	vlt.u32 v2, $0x2  }
0x2b4: {  	v2 =	vmpcnt.ones.xlane vm0;
	_ =	sdelay $0x1  }
0x2b5: {  	p2 =	sne.s32 s16, $0x1;
	v2 =	vxor.u32 $0x80000000, v2  }
.Ltmp17:
0x2b6: {  	(xrf0) =	vmax.scan.msk.u32 $0xffff, v2;
	(pc) =	sbr.rel @!p2 .LBB2_31-.Ltmp17, $4  }
0x2b7: {  	p1 =	por $0x1, $0x1;
	s17 =	simm.s32 $0x0  }
0x2b8: {  	s23 =	smov.u32 s20;
	s17 =	simm.s32 @!p1 $0x70;
	v3 =	vor.u32 s26, v1  }
0x2b9: {  	s22 =	sadd.s32 $0x10, s3;
	s3 =	sadd.s32 $0xFFFFFFFF, s16;
	s18 =	smov.u32 s12;
	[tilespmem:s17+$0x1D970] =	vst.msk vm0, v3  }
0x2ba: {  	s16 =	smov.u32 s26;
	p1 =	por $0x1, $0x1;
	s17 =	simm.s32 $0x0;
	v2 =	vld [tilespmem:s22+$0x0]  }
.LBB2_32:
0x2bb: {  	p2 =	sne.s32 s3, $0x1  }
0x2bc: {  	v3, _, _ =	vpop (xrf0)  }
0x2bd: {  	(v2sf) =	vpush v3, $0xF  }
0x2be: {  	s18 =	sadd.s32 $0x10, s18  }
0x2bf: {  	v3 =	vld [tilespmem:s18+$0x0];
	_ =	sdelay $0x2  }
0x2c0: {  	v2 =	vld.idx.msk [tilespmem:v2+s4+$0x0], $0xffff;
	_ =	sdelay $0x1  }
0x2c1: {  	v3 =	vmul.f32 $3.276800000e+04, v3;
	_ =	sdelay $0x1  }
0x2c2: {  	v3 =	vtrunc.f32 v3  }
0x2c3: {  	v3 =	vcvt.f32.s32 v3  }
0x2c4: {  	v2 =	vshrl.u32 v2, $0x11  }
0x2c5: {  	v2 =	vsub.s32 v3, v2  }
0x2c6: {  	v2 =	vadd.s32 $0x1, v2  }
0x2c7: {  	vm0 =	vlt.u32 v2, $0x2  }
0x2c8: {  	v2 =	vmpcnt.ones.xlane vm0;
	s20 =	spop (v2sf)  }
0x2c9: {  	s17 =	sadd.s32 s20, s17  }
0x2ca: {  	s16 =	sadd.s32 $0x10, s16;
	v2 =	vxor.u32 $0x80000000, v2;
	s17 =	sadd.s32 $0x80000000, s17  }
.Ltmp18:
0x2cb: {  	p3 =	slt.s32 s17, $0x70;
	(xrf0) =	vmax.scan.msk.u32 $0xffff, v2;
	s20 =	smov.u32 s17;
	(pc) =	sbr.rel @p2 .LBB2_32-.Ltmp18, $4  }
0x2cc: {  	v2 =	vor.u32 s16, v1;
	s20 =	simm.s32 @!p3 $0x70  }
0x2cd: {  	[tilespmem:s20+$0x1D970] =	vst.msk vm0, v2  }
0x2ce: {  	s22 =	sadd.s32 $0x10, s22  }
0x2cf: {  	s3 =	sadd.s32 $0xFFFFFFFF, s3;
	v2 =	vld [tilespmem:s22+$0x0]  }
0x2d0: {  	s20 =	smov.u32 s23;
	s23 =	simm.s32 $0x80;
	s22 =	simm.s32 $0x0  }
.LBB2_34:
0x2d1: {  	_ = 	snop  }
0x2d2: {  	s3 =	sadd.s32 @p1 $0x10, s18  }
0x2d3: {  	s12 =	smov.u32 @p1 s3  }
0x2d4: {  	v3 =	vld [tilespmem:s12+$0x0];
	_ =	sdelay $0x3  }
0x2d5: {  	v2 =	vld.idx.msk [tilespmem:v2+s4+$0x0], $0xffff  }
0x2d6: {  	v3 =	vmul.f32 $3.276800000e+04, v3;
	_ =	sdelay $0x1  }
0x2d7: {  	v3 =	vtrunc.f32 v3  }
0x2d8: {  	v3 =	vcvt.f32.s32 v3  }
0x2d9: {  	v2 =	vshrl.u32 v2, $0x11  }
0x2da: {  	v2 =	vsub.s32 v3, v2  }
0x2db: {  	v2 =	vadd.s32 $0x1, v2  }
0x2dc: {  	vm0 =	vlt.u32 v2, $0x2  }
0x2dd: {  	v2 =	vmpcnt.ones.xlane vm0;
	_ =	sdelay $0x1  }
0x2de: {  	v2 =	vxor.u32 $0x80000000, v2  }
0x2df: {  	(xrf0) =	vmax.scan.msk.u32 $0xffff, v2;
	_ =	sdelay $0x2  }
0x2e0: {  	v2, _, _ =	vpop @p1 (xrf0)  }
0x2e1: {  	(v2sf) =	vpush @p1 v2, $0xF;
	_ =	sdelay $0x1  }
0x2e2: {  	v2, _, _ =	vpop (xrf0)  }
0x2e3: {  	(v2sf) =	vpush v2, $0xF;
	_ =	sdelay $0xb  }
0x2e4: {  	s3 =	spop @p1 (v2sf)  }
0x2e5: {  	s3 =	sadd.s32 @p1 s3, s17  }
0x2e6: {  	s3 =	sadd.s32 @p1 $0x80000000, s3  }
0x2e7: {  	s31 =	smov.u32 @p1 s3;
	s18 =	spop (v2sf)  }
0x2e8: {  	s12 =	sadd.s32 @p1 $0x10, s16;
	s3 =	sadd.s32 s18, s31  }
0x2e9: {  	s26 =	smov.u32 @p1 s12;
	p2 =	slt.s32 s31, $0x70;
	s3 =	sadd.s32 $0x80000000, s3  }
0x2ea: {  	v2 =	vor.u32 s26, v1;
	s31 =	simm.s32 @!p2 $0x70;
	p1 =	slt.s32 s3, $0x70  }
0x2eb: {  	[tilespmem:s31+$0x1D970] =	vst.msk vm0, v2;
	s3 =	simm.s32 @!p1 $0x70  }
.LBB2_35:
0x2ec: {  	v2 =	vld [tilespmem:$0x1D970];
	_ =	sdelay $0x5  }
0x2ed: {  	v3 =	vld [tilespmem:$0x1D980];
	_ =	sdelay $0x1  }
0x2ee: {  	v2 =	vld.idx.msk [tilespmem:v2+s8+$0x0], $0xffff;
	_ =	sdelay $0x3  }
0x2ef: {  	v4 =	vld [tilespmem:$0x1D990]  }
0x2f0: {  	[tilespmem:$0x1D9F0] =	vst v2  }
0x2f1: {  	v2 =	vld.idx.msk [tilespmem:v3+s8+$0x0], $0xffff;
	_ =	sdelay $0x3  }
0x2f2: {  	v3 =	vld [tilespmem:$0x1D9A0]  }
0x2f3: {  	[tilespmem:$0x1DA00] =	vst v2  }
0x2f4: {  	v2 =	vld.idx.msk [tilespmem:v4+s8+$0x0], $0xffff;
	_ =	sdelay $0x3  }
0x2f5: {  	v4 =	vld [tilespmem:$0x1D9B0]  }
0x2f6: {  	[tilespmem:$0x1DA10] =	vst v2  }
0x2f7: {  	v2 =	vld.idx.msk [tilespmem:v3+s8+$0x0], $0xffff;
	_ =	sdelay $0x3  }
0x2f8: {  	v3 =	vld [tilespmem:$0x1D9C0]  }
0x2f9: {  	[tilespmem:$0x1DA20] =	vst v2  }
0x2fa: {  	v2 =	vld.idx.msk [tilespmem:v4+s8+$0x0], $0xffff;
	_ =	sdelay $0x3  }
0x2fb: {  	v4 =	vld [tilespmem:$0x1D9D0]  }
0x2fc: {  	[tilespmem:$0x1DA30] =	vst v2  }
0x2fd: {  	v2 =	vld.idx.msk [tilespmem:v3+s8+$0x0], $0xffff;
	_ =	sdelay $0x3  }
0x2fe: {  	v3 =	vld [tilespmem:$0x1D9E0]  }
0x2ff: {  	[tilespmem:$0x1DA40] =	vst v2  }
0x300: {  	v2 =	vld.idx.msk [tilespmem:v4+s8+$0x0], $0xffff;
	_ =	sdelay $0x4  }
0x301: {  	[tilespmem:$0x1DA50] =	vst v2  }
0x302: {  	v2 =	vld.idx.msk [tilespmem:v3+s8+$0x0], $0xffff;
	_ =	sdelay $0x4  }
0x303: {  	s12 =	simm.s32 $0x1D9F0;
	s16 =	simm.s32 $0x1DA70;
	[tilespmem:$0x1DA60] =	vst v2  }
0x304: {  	[tilespmem:s16], [sflag:$0x5] =	stream.indirect.gather [spmem:s20], $0x1, s12, s23, $0x2000b8;
	[tilespmem:$0x1DAF0] =	vst v63  }
0x305: {  	_ =	swait.ge [sflag:s13], $0x80  }
0x306: {  	[sflag:s13] =	ssyncset.done $0x0  }
0x307: {  	s17 =	simm.s32 $0x1D970;
	[sflag:s13] =	ssyncadd.s32 $0xFFFFFF80  }
0x308: {  	v3 =	vld [tilespmem:s17+$0x0];
	_ =	sdelay $0x2  }
0x309: {  	v4 =	vld [tilespmem:s12+$0x0];
	_ =	sdelay $0x1  }
0x30a: {  	v2 =	vmul.u32 $0x147B, v3;
	_ =	sdelay $0x1  }
0x30b: {  	v5 =	vshra.s32 v2, $0x12  }
0x30c: {  	v6 =	vmul.u32 $0xFFFFFFCE, v5  }
0x30d: {  	v63 =	vld [tilespmem:s16+$0x0]  }
0x30e: {  	v9 =	vor.u32 s14, v1;
	v8 =	vld.idx.msk [tilespmem:v3+s9+$0x0], $0xffff;
	v3 =	vadd.s32 v3, v6  }
0x30f: {  	v2 =	vmov s3;
	v7 =	vld.idx.msk [tilespmem:v4+s4+$0x0], $0xffff;
	v5 =	vshll.u32 v5, $0x7;
	v10 =	vand.u32 $0xFFFFFF80, v3  }
0x310: {  	vm0 =	vlt.s32 v9, v2;
	v3 =	vand.u32 $0x7F, v3;
	v5 =	vadd.s32 v5, v10  }
0x311: {  	v3 =	vor.u32 v3, v5;
	_ =	sdelay $0x2  }
0x312: {  	vm1 =	vlt.f32 v8, v63;
	v5 =	vand.u32 $0x1FFFF, v7  }
0x313: {  	v4 =	vsel vm1, v4, v5  }
0x314: {  	s12 =	simm.s32 $0x1D980;
	[tilespmem:v3+s21+$0x0] =	vst.idx.msk vm0, v4  }
0x315: {  	s14 =	simm.s32 $0x1DA00;
	s17 =	simm.s32 $0x20;
	s3 =	simm.s32 $0x10;
	v3 =	vld [tilespmem:s12+$0x0]  }
.LBB2_36:
0x316: {  	p1 =	sne.s32 s17, $0x70;
	v4 =	vld [tilespmem:s14+$0x0];
	_ =	sdelay $0x3  }
0x317: {  	v5 =	vmul.u32 $0x147B, v3;
	_ =	sdelay $0x1  }
0x318: {  	v5 =	vshra.s32 v5, $0x12  }
0x319: {  	v6 =	vmul.u32 $0xFFFFFFCE, v5  }
0x31a: {  	v7 =	vld.idx.msk [tilespmem:v4+s4+$0x0], $0xffff  }
0x31b: {  	s16 =	sadd.s32 $0x10, s16;
	v8 =	vld.idx.msk [tilespmem:v3+s9+$0x0], $0xffff;
	v3 =	vadd.s32 v3, v6  }
0x31c: {  	v9 =	vor.u32 s3, v1;
	s3 =	smov.u32 s17;
	v5 =	vshll.u32 v5, $0x7;
	v6 =	vld [tilespmem:s16+$0x0];
	v10 =	vand.u32 $0xFFFFFF80, v3  }
0x31d: {  	vm0 =	vlt.s32 v9, v2;
	v3 =	vand.u32 $0x7F, v3;
	v5 =	vadd.s32 v5, v10  }
0x31e: {  	v3 =	vor.u32 v3, v5;
	_ =	sdelay $0x1  }
.Ltmp19:
0x31f: {  	(pc) =	sbr.rel @p1 .LBB2_36-.Ltmp19, $4  }
0x320: {  	v5 =	vand.u32 $0x1FFFF, v7;
	vm1 =	vlt.f32 v8, v6  }
0x321: {  	v4 =	vsel vm1, v4, v5  }
0x322: {  	s12 =	sadd.s32 $0x10, s12;
	[tilespmem:v3+s21+$0x0] =	vst.idx.msk vm0, v4  }
0x323: {  	s17 =	sadd.s32 $0x10, s17;
	s14 =	sadd.s32 $0x10, s14;
	v3 =	vld [tilespmem:s12+$0x0]  }
0x324: {  	_ =	sdelay $0x1  }
0x325: {  	v4 =	vld [tilespmem:s14+$0x0];
	_ =	sdelay $0x1  }
0x326: {  	v5 =	vmul.u32 $0x147B, v3;
	_ =	sdelay $0x1  }
0x327: {  	v5 =	vshra.s32 v5, $0x12  }
0x328: {  	s12 =	sadd.s32 $0x10, s16;
	v6 =	vmul.u32 $0xFFFFFFCE, v5  }
0x329: {  	v63 =	vld [tilespmem:s12+$0x0]  }
0x32a: {  	v8 =	vld.idx.msk [tilespmem:v3+s9+$0x0], $0xffff;
	v3 =	vadd.s32 v3, v6  }
0x32b: {  	v9 =	vor.u32 s3, v1;
	v5 =	vshll.u32 v5, $0x7;
	v7 =	vld.idx.msk [tilespmem:v4+s4+$0x0], $0xffff;
	v10 =	vand.u32 $0xFFFFFF80, v3  }
0x32c: {  	vm0 =	vlt.s32 v9, v2;
	v2 =	vand.u32 $0x7F, v3;
	v3 =	vadd.s32 v5, v10  }
0x32d: {  	v2 =	vor.u32 v2, v3;
	_ =	sdelay $0x2  }
0x32e: {  	vm1 =	vlt.f32 v8, v63;
	v3 =	vand.u32 $0x1FFFF, v7  }
0x32f: {  	v3 =	vsel vm1, v4, v3  }
0x330: {  	[tilespmem:v2+s21+$0x0] =	vst.idx.msk vm0, v3  }
0x331: {  	_ =	strace $0x9000004D  }
.LBB2_38:
.Ltmp20:
0x332: {  	(pc) =	sbr.rel @p0 .LBB2_40-.Ltmp20, $3  }
0x333: {  	_ =	sdelay $0x1  }
0x334: {  	s3 =	sadd.s32 $0x200, s25  }
0x335: {  	[hbm4b:s3+s4] =	stream.linear.scatter [tilespmem:s21], [sflag:$0x7], $0x1000, $0x38;
	[tilespmem:$0x1DAF0] =	vst v63  }
0x336: {  	s3 =	smul.u32 $0xC80, s24;
	_ =	sdelay $0x1  }
0x337: {  	s3 =	sadd.s32 s3, s30  }
.Ltmp21:
0x338: {  	s3 =	sshrl.u32 s3, $0x3;
	(pc) =	sbr.rel .LBB2_10-.Ltmp21, $4  }
0x339: {  	s12 =	sadd.s32 s1, s3  }
0x33a: {  	[tilespmem:s8], [sflag:$0x2] =	stream.linear.gather [hbm4b:s12+s4], $0x640, $0x38;
	[tilespmem:$0x1DAF0] =	vst v63  }
0x33b: {  	s24 =	sadd.s32 $0x1, s24;
	s3 =	sadd.s32 s2, s3  }
0x33c: {  	[tilespmem:s9], [sflag:$0x4] =	stream.linear.gather [hbm4b:s3+s4], $0x640, $0x38;
	[tilespmem:$0x1DAF0] =	vst v63  }
.LBB2_15:
.Ltmp22:
0x33d: {  	(pc) =	sbr.rel .LBB2_20-.Ltmp22, $2  }
0x33e: {  	_ =	sdelay $0x2  }
0x33f: {  	s17 =	smov.u32 s18;
	s31 =	simm.s32 $0x0;
	s16 =	smov.u32 s25  }
.LBB2_29:
.Ltmp23:
0x340: {  	(pc) =	sbr.rel .LBB2_34-.Ltmp23, $2  }
0x341: {  	_ =	sdelay $0x2  }
0x342: {  	s18 =	smov.u32 s12;
	s17 =	simm.s32 $0x0;
	s16 =	smov.u32 s26  }
.LBB2_17:
.Ltmp24:
0x343: {  	(pc) =	sbr.rel .LBB2_20-.Ltmp24, $3  }
0x344: {  	_ =	sdelay $0x1  }
0x345: {  	s17 =	smov.u32 s18  }
0x346: {  	s31 =	simm.s32 $0x0;
	s16 =	smov.u32 s25;
	s22 =	simm.s32 $0x0  }
.LBB2_31:
.Ltmp25:
0x347: {  	(pc) =	sbr.rel .LBB2_34-.Ltmp25, $3  }
0x348: {  	_ =	sdelay $0x1  }
0x349: {  	s18 =	smov.u32 s12;
	s17 =	simm.s32 $0x0;
	s16 =	smov.u32 s26  }
0x34a: {  	s20 =	smov.u32 s23;
	s23 =	simm.s32 $0x80;
	s22 =	simm.s32 $0x0  }
.LBB2_41:
0x34b: {  	_ =	sfence.sel $0x180000  }
0x34c: {  	[bflag:$0x0] =	sbarrier.arrive $0xFFFF  }
0x34d: {  	_ =	strace $0x90000047  }
0x34e: {  	s0 =	stileid.u32;
	[bflag:$0x2] =	sbarrier.arrive $0xFFFF  }
0x34f: {  	p0 =	sne.s32 s0, $0x0;
	s0 =	rddreg [dreg:$0x7]  }
0x350: {  	s0 =	sadd.s32 @!p0 $0x100000, s0  }
0x351: {  	[sflag:s0] =	ssyncadd.tile.s32 @!p0 $0x1;
	_ =	shalt  }
.Lfunc_end2:
_tile_overlayer_lowered:
.L_overlay_start_2:
0x352: {  	(tag) =	ssettag $0x2  }
0x353: {  	s0 =	rddreg [dreg:$0x0];
	s2 =	stileid.u32  }
0x354: {  	s1 =	rddreg [dreg:$0x1];
	p0 =	sne.s32 s2, $0x0  }
0x355: {  	s3 =	rddreg [dreg:$0x2];
	[bflag:$0x3] =	sbarrier.arrive $0xFFFF;
	s2 =	simm.s32 @!p0 $0x1C0A  }
0x356: {  	[timem:s3], [sflag:s2] =	dma.local @!p0 [hbm:s0], s1  }
0x357: {  	s0 =	simm.s32 @!p0 $0xA  }
0x358: {  	_ =	swait.ge @!p0 [sflag:s0], s1  }
0x359: {  	s1 =	ssub.s32 @!p0 $0x0, s1;
	[sflag:s0] =	ssyncset.done @!p0 $0x0  }
0x35a: {  	[sflag:s0] =	ssyncadd.s32 @!p0 s1  }
0x35b: {  	[bflag:$0x3] =	sbarrier.arrive $0xFFFF  }
0x35c: {  	_ =	shalt  }

</sc_bundles>
